<compile_context>
chip_gen: v7x
topology: tpu7x:2x2x1
jax: 0.10.2.dev20260603
libtpu: 0.0.44.dev20260713+nightly
codegen_flags: <defaults>
</compile_context>

<pallas_src>
import functools

import jax
import jax.numpy as jnp
from jax import lax
from jax.experimental import pallas as pl
from jax.experimental.pallas import tpu as pltpu
from jax.experimental.pallas import tpu_sc as plsc

NC = 2
NS = 16
NW = NC * NS
CH = 128
TRASH = 64
LANES = 16
ACT_DIM = 8


def _leaky_relu(x):
    return jnp.where(x > 0, x, 0.01 * x)


@functools.lru_cache(maxsize=None)
def _make_sc_deg(n, nch):
    mesh = plsc.VectorSubcoreMesh(core_axis_name="c", subcore_axis_name="s",
                                  num_cores=NC, num_subcores=NS)
    zch = n // 5

    @functools.partial(
        pl.kernel,
        out_type=jax.ShapeDtypeStruct((NC * n,), jnp.float32),
        mesh=mesh,
        compiler_params=pltpu.CompilerParams(use_tc_tiling_on_sc=False),
        scratch_types=[
            pltpu.VMEM((nch, CH), jnp.int32),
            pltpu.VMEM((CH,), jnp.float32),
            pltpu.VMEM((zch,), jnp.float32),
            pltpu.VMEM_SHARED((n + TRASH,), jnp.float32),
            pltpu.SemaphoreType.DMA,
        ],
    )
    def deg_kernel(dst_hbm, out_hbm, dst_v, ones_v, zb_v, deg_sh, sem):
        cid = lax.axis_index("c")
        sid = lax.axis_index("s")
        pltpu.sync_copy(dst_hbm.at[cid, sid], dst_v)

        one16 = jnp.full((LANES,), 1.0, jnp.float32)
        zero16 = jnp.zeros((LANES,), jnp.float32)

        def fill_ones(i, c):
            ones_v[pl.ds(pl.multiple_of(i * LANES, LANES), LANES)] = one16
            return c
        lax.fori_loop(0, CH // LANES, fill_ones, 0)

        def fill_zeros(i, c):
            zb_v[pl.ds(pl.multiple_of(i * LANES, LANES), LANES)] = zero16
            return c
        lax.fori_loop(0, zch // LANES, fill_zeros, 0)

        @pl.when(sid < 5)
        def _():
            pltpu.sync_copy(zb_v, deg_sh.at[pl.ds(sid * zch, zch)])
        plsc.subcore_barrier()

        def body(j, c):
            pltpu.async_copy(ones_v, deg_sh.at[dst_v.at[j]], sem, add=True)
            return c
        lax.fori_loop(0, nch, body, 0)

        def drain(j, c):
            pltpu.make_async_copy(ones_v, deg_sh.at[dst_v.at[j]], sem).wait()
            return c
        lax.fori_loop(0, nch, drain, 0)
        plsc.subcore_barrier()

        @pl.when(sid < 5)
        def _():
            pltpu.sync_copy(deg_sh.at[pl.ds(sid * zch, zch)], zb_v)
            pltpu.sync_copy(zb_v, out_hbm.at[pl.ds(cid * n + sid * zch, zch)])

    return deg_kernel


@functools.lru_cache(maxsize=None)
def _make_sc_msg(n, d, nch):
    hd = d // 2
    mesh = plsc.VectorSubcoreMesh(core_axis_name="c", subcore_axis_name="s",
                                  num_cores=NC, num_subcores=NS)
    io_rows = n // 10
    zrows = io_rows // 5
    NB = 4
    assert nch >= NB

    @functools.partial(
        pl.kernel,
        out_type=jax.ShapeDtypeStruct((NC, n, hd), jnp.float32),
        mesh=mesh,
        compiler_params=pltpu.CompilerParams(use_tc_tiling_on_sc=False),
        scratch_types=[
            pltpu.VMEM((nch, CH), jnp.int32),
            pltpu.VMEM((nch, CH), jnp.int32),
            pltpu.VMEM((4, CH, hd), jnp.float32),
            pltpu.VMEM((zrows, hd), jnp.float32),
            pltpu.VMEM_SHARED((n + TRASH, hd), jnp.float32),
            pltpu.SemaphoreType.DMA,
            pltpu.SemaphoreType.DMA,
            pltpu.SemaphoreType.DMA,
            pltpu.SemaphoreType.DMA,
            pltpu.SemaphoreType.DMA,
            pltpu.SemaphoreType.DMA,
            pltpu.SemaphoreType.DMA,
            pltpu.SemaphoreType.DMA,
        ],
    )
    def msg_kernel(y2_hbm, src_hbm, dst_hbm, out_hbm,
                   src_v, dst_v, rows_v, zb_v, acc_sh,
                   sg0, sg1, sg2, sg3, ss0, ss1, ss2, ss3):
        cid = lax.axis_index("c")
        sid = lax.axis_index("s")
        pltpu.async_copy(src_hbm.at[sid], src_v, sg0)
        pltpu.async_copy(dst_hbm.at[sid], dst_v, sg1)

        zero16 = jnp.zeros((LANES,), jnp.float32)
        dl = hd // LANES

        def zrow(i, c):
            r = i // dl
            col = i % dl
            zb_v[r, pl.ds(pl.multiple_of(col * LANES, LANES), LANES)] = zero16
            return c
        lax.fori_loop(0, zrows * dl, zrow, 0)

        @pl.when(sid < 10)
        def _():
            def zcopy(k, c):
                pltpu.sync_copy(zb_v,
                                acc_sh.at[pl.ds(sid * io_rows + k * zrows,
                                                zrows)])
                return c
            lax.fori_loop(0, io_rows // zrows, zcopy, 0)
        pltpu.make_async_copy(src_hbm.at[sid], src_v, sg0).wait()
        pltpu.make_async_copy(dst_hbm.at[sid], dst_v, sg1).wait()
        plsc.subcore_barrier()

        sems_g = (sg0, sg1, sg2, sg3)
        sems_s = (ss0, ss1, ss2, ss3)

        def g_start(j, b):
            pltpu.async_copy(y2_hbm.at[cid].at[src_v.at[j]], rows_v.at[b],
                             sems_g[b])

        def g_wait(j, b):
            pltpu.make_async_copy(y2_hbm.at[cid].at[src_v.at[j]],
                                  rows_v.at[b], sems_g[b]).wait()

        def s_start(j, b):
            pltpu.async_copy(rows_v.at[b], acc_sh.at[dst_v.at[j]], sems_s[b],
                             add=True)

        def s_wait(j, b):
            pltpu.make_async_copy(rows_v.at[b], acc_sh.at[dst_v.at[j]],
                                  sems_s[b]).wait()

        def visit(j, b):
            g_wait(j, b)
            s_start(j, b)
            jm = j - 2

            @pl.when(jm >= 0)
            def _():
                s_wait(jm, (b + 2) % NB)
            nxt = j + 2

            @pl.when(nxt < nch)
            def _():
                g_start(nxt, (b + 2) % NB)

        g_start(0, 0)
        g_start(1, 1)
        full = nch // NB

        def body(i, c):
            for b in range(NB):
                visit(i * NB + b, b)
            return c
        lax.fori_loop(0, full, body, 0)
        for t in range(full * NB, nch):
            visit(t, t % NB)
        s_wait(nch - 2, (nch - 2) % NB)
        s_wait(nch - 1, (nch - 1) % NB)
        plsc.subcore_barrier()

        @pl.when(sid < 10)
        def _():
            wrows = CH - 3
            nw = io_rows // wrows
            bufs = (rows_v.at[0, pl.ds(0, wrows)], rows_v.at[1, pl.ds(0, wrows)])
            for k in range(nw):
                off = sid * io_rows + k * wrows
                b = bufs[k % 2]
                if k >= 2:
                    offp = sid * io_rows + (k - 2) * wrows
                    pltpu.make_async_copy(
                        b, out_hbm.at[cid, pl.ds(offp, wrows)], ss0).wait()
                pltpu.sync_copy(acc_sh.at[pl.ds(off, wrows)], b)
                pltpu.async_copy(b, out_hbm.at[cid, pl.ds(off, wrows)], ss0)
            for k in range(max(nw - 2, 0), nw):
                off = sid * io_rows + k * wrows
                pltpu.make_async_copy(
                    bufs[k % 2], out_hbm.at[cid, pl.ds(off, wrows)], ss0).wait()

    return msg_kernel


def _tc_prep_call(cnt, state, w_conv):
    n, d = state.shape
    hd = d // 2

    def prep(cnt_ref, x_ref, w_ref, y2_ref, dinv_ref):
        deg = cnt_ref[0] + cnt_ref[1] + 1.0
        dinv = lax.rsqrt(deg)
        xw = jnp.dot(x_ref[...], w_ref[...], preferred_element_type=jnp.float32)
        y = xw * dinv[:, None]
        y2_ref[0] = y[:, :hd]
        y2_ref[1] = y[:, hd:]
        dinv_ref[...] = dinv

    return pl.pallas_call(
        prep,
        out_shape=[jax.ShapeDtypeStruct((NC, n, hd), jnp.float32),
                   jax.ShapeDtypeStruct((n,), jnp.float32)],
    )(cnt, state, w_conv)


def _tc_final_call(partials, dinv, state, b_conv, w1, b1, w2, b2, w3r, b3):
    n, d = state.shape

    def fin(p_ref, dinv_ref, x_ref, bc_ref, w1_ref, b1_ref, w2_ref,
            b2_ref, w3_ref, b3_ref, out_ref):
        acc = jnp.concatenate([p_ref[0], p_ref[1]], axis=-1)
        conv = acc * dinv_ref[...][:, None] + bc_ref[...][None, :]
        x = jnp.maximum(conv, 0.0) + x_ref[...]
        h1 = _leaky_relu(jnp.dot(x, w1_ref[...],
                                 preferred_element_type=jnp.float32)
                         + b1_ref[...][None, :])
        h2 = _leaky_relu(jnp.dot(h1, w2_ref[...],
                                 preferred_element_type=jnp.float32)
                         + b2_ref[...][None, :])
        logit = jnp.sum(h2 * w3_ref[...], axis=1) + b3_ref[0]
        conc = jnp.log(1.0 + jnp.exp(-jnp.abs(logit))) + jnp.maximum(logit, 0.0)
        out_ref[...] = conc / (jnp.sum(conc) + 1e-20)

    return pl.pallas_call(
        fin,
        out_shape=jax.ShapeDtypeStruct((n,), jnp.float32),
    )(partials, dinv, state, b_conv, w1, b1, w2, b2, w3r, b3)


def kernel(state, edge_index, W_conv, b_conv, W1, b1, W2, b2, W3, b3,
           deterministic):
    n, d = state.shape
    e = edge_index.shape[1]

    def pad_edges(arr, parts):
        srcp, dstp = arr
        per = srcp.shape[0] // parts
        nchunks = -(-per // CH)
        pad = nchunks * CH - per
        srcp = srcp.reshape(parts, per)
        dstp = dstp.reshape(parts, per)
        if pad:
            k = jnp.arange(pad, dtype=jnp.int32)
            ps = jnp.broadcast_to((k * 131) % n, (parts, pad))
            pd = jnp.broadcast_to(n + (k % TRASH), (parts, pad))
            srcp = jnp.concatenate([srcp, ps], axis=1)
            dstp = jnp.concatenate([dstp, pd], axis=1)
        return (srcp.reshape(parts, nchunks, CH),
                dstp.reshape(parts, nchunks, CH), nchunks)

    _, dstd, nch = pad_edges((edge_index[0], edge_index[1]), NW)
    loop = jnp.arange(n, dtype=edge_index.dtype)
    srcl = jnp.concatenate([edge_index[0], loop])
    dstl = jnp.concatenate([edge_index[1], loop])
    src2, dst2, nch2 = pad_edges((srcl, dstl), NS)
    dstd = dstd.reshape(NC, NS, nch, CH)

    cnt = _make_sc_deg(n, nch)(dstd).reshape(NC, n)
    y2, dinv = _tc_prep_call(cnt, state, W_conv)
    partials = _make_sc_msg(n, d, nch2)(y2, src2, dst2)
    act = _tc_final_call(partials, dinv, state, b_conv, W1, b1, W2, b2,
                         W3.reshape(1, -1), b3)
    return act.reshape(-1, ACT_DIM)

# --- scband reference (transcript-rebuilt; emitter-appended) ---
"""Pipeline reference for scband-gnnactor-27195732918312 (READ-ONLY COPY).

The authoritative reference and input builder live on the scoring server;
editing this copy changes nothing except your own understanding.
"""

import jax, jax.numpy as jnp
import numpy as np

N = 10000
E = 320000
D = 128
H = 32
ACT = 8

def setup_inputs(seed: int = 0) -> dict:
    key = jax.random.key(seed)
    ks = jax.random.split(key, 8)
    inp = {}
    inp['state'] = jax.random.normal(ks[0], (N, D), dtype=jnp.float32)
    inp['edge_index'] = jax.random.randint(ks[1], (2, E), 0, N, dtype=jnp.int32)
    inp['W_conv'] = jax.random.normal(ks[2], (D, D), dtype=jnp.float32) * 0.05
    inp['b_conv'] = jnp.zeros((D,), dtype=jnp.float32)
    inp['W1'] = jax.random.normal(ks[3], (D, H), dtype=jnp.float32) * 0.05
    inp['b1'] = jnp.zeros((H,), dtype=jnp.float32)
    inp['W2'] = jax.random.normal(ks[4], (H, H), dtype=jnp.float32) * 0.05
    inp['b2'] = jnp.zeros((H,), dtype=jnp.float32)
    inp['W3'] = jax.random.normal(ks[5], (H, 1), dtype=jnp.float32) * 0.05
    inp['b3'] = jnp.zeros((1,), dtype=jnp.float32)
    inp['deterministic'] = 1
    return inp

def gcn_conv(x, edge_index, W, b):
    # PyG GCNConv: add self-loops, symmetric deg^{-1/2} normalization, scatter-add aggregation
    n = x.shape[0]
    src = edge_index[0]
    dst = edge_index[1]
    loop = jnp.arange(n, dtype=src.dtype)
    src = jnp.concatenate([src, loop])
    dst = jnp.concatenate([dst, loop])
    deg = jnp.zeros((n,), dtype=x.dtype).at[dst].add(1.0)
    dinv = jax.lax.rsqrt(deg)
    norm = dinv[src] * dinv[dst]
    xw = x @ W
    msg = xw[src] * norm[:, None]
    out = jnp.zeros((n, W.shape[1]), dtype=x.dtype).at[dst].add(msg)
    return out + b

def reference(state, edge_index, W_conv, b_conv, W1, b1, W2, b2, W3, b3, deterministic):
    out = jax.nn.relu(gcn_conv(state, edge_index, W_conv, b_conv))
    x = out + state
    x = x.reshape(-1, ACT, D)
    x = jax.nn.leaky_relu(x @ W1 + b1, negative_slope=0.01)
    x = jax.nn.leaky_relu(x @ W2 + b2, negative_slope=0.01)
    x = jax.nn.softplus(x @ W3 + b3)
    concentration = jnp.squeeze(x, -1)
    # deterministic=True, mode=0 path: normalized concentration
    action = concentration / (concentration.sum() + 1e-20)
    return action

if __name__ == "__main__":
    import jax
    _d = setup_inputs()
    print(jax.jit(kernel)(*tuple(_d.values())))

</pallas_src>

<mosaic_0001>
#map = affine_map<(d0, d1) -> (0, 0, 0, 0)>
#map1 = affine_map<(d0, d1) -> (0)>
module attributes {stable_mosaic.version = 14 : i64} {
  func.func @deg_kernel(%arg0: i32, %arg1: i32, %arg2: memref<2x16x79x128xi32, #tpu.memory_space<hbm>>, %arg3: memref<20000xf32, #tpu.memory_space<hbm>>, %arg4: memref<79x128xi32, #tpu.memory_space<vmem>>, %arg5: memref<128xf32, #tpu.memory_space<vmem>>, %arg6: memref<2000xf32, #tpu.memory_space<vmem>>, %arg7: memref<10064xf32, #tpu.memory_space<vmem_shared>>, %arg8: memref<!tpu.dma_semaphore, #tpu.memory_space<semaphore_mem>>) attributes {dimension_semantics = [#tpu.dimension_semantics<core_parallel>, #tpu.dimension_semantics<subcore_parallel>], iteration_bounds = array<i64: 2, 16>, scalar_prefetch = 0 : i64, scratch_operands = 5 : i64, tpu.core_type = #tpu.core_type<sc_vector_subcore>, window_params = [{transform_indices = #map}, {transform_indices = #map1}]} {
    "tpu.region"() ({
      %run_scoped3A = tpu.sem_alloc : memref<!tpu.dma_semaphore, #tpu.memory_space<semaphore_mem>>
      %dma_start3A = arith.constant 0 : i32
      %dma_start3A_34 = arith.constant 0 : i32
      %dma_start3A_35 = tpu.memref_slice %arg2[%arg0, %arg1, %dma_start3A, %dma_start3A_34] : memref<2x16x79x128xi32, #tpu.memory_space<hbm>> -> memref<1x1x79x128xi32, #tpu.memory_space<hbm>>
      %dma_start3A_36 = tpu.memref_squeeze %dma_start3A_35 : memref<1x1x79x128xi32, #tpu.memory_space<hbm>> -> memref<79x128xi32, #tpu.memory_space<hbm>>
      %dma_start3A_37 = arith.constant 0 : i32
      %dma_start3A_38 = arith.constant 0 : i32
      %dma_start3A_39 = tpu.memref_slice %arg2[%arg0, %arg1, %dma_start3A_37, %dma_start3A_38] : memref<2x16x79x128xi32, #tpu.memory_space<hbm>> -> memref<1x1x79x128xi32, #tpu.memory_space<hbm>>
      %dma_start3A_40 = tpu.memref_squeeze %dma_start3A_39 : memref<1x1x79x128xi32, #tpu.memory_space<hbm>> -> memref<79x128xi32, #tpu.memory_space<hbm>>
      tpu.enqueue_dma source(%dma_start3A_40 : memref<79x128xi32, #tpu.memory_space<hbm>>) target(%arg4 : memref<79x128xi32, #tpu.memory_space<vmem>>) target_semaphore(%run_scoped3A : memref<!tpu.dma_semaphore, #tpu.memory_space<semaphore_mem>>)
      %dma_wait3A = arith.constant 0 : i32
      %dma_wait3A_41 = arith.constant 0 : i32
      %dma_wait3A_42 = tpu.memref_slice %arg2[%arg0, %arg1, %dma_wait3A, %dma_wait3A_41] : memref<2x16x79x128xi32, #tpu.memory_space<hbm>> -> memref<1x1x79x128xi32, #tpu.memory_space<hbm>>
      %dma_wait3A_43 = tpu.memref_squeeze %dma_wait3A_42 : memref<1x1x79x128xi32, #tpu.memory_space<hbm>> -> memref<79x128xi32, #tpu.memory_space<hbm>>
      %dma_wait3A_44 = arith.constant 0 : i32
      %dma_wait3A_45 = arith.constant 0 : i32
      %dma_wait3A_46 = tpu.memref_slice %arg2[%arg0, %arg1, %dma_wait3A_44, %dma_wait3A_45] : memref<2x16x79x128xi32, #tpu.memory_space<hbm>> -> memref<1x1x79x128xi32, #tpu.memory_space<hbm>>
      %dma_wait3A_47 = tpu.memref_squeeze %dma_wait3A_46 : memref<1x1x79x128xi32, #tpu.memory_space<hbm>> -> memref<79x128xi32, #tpu.memory_space<hbm>>
      tpu.wait_dma2 semaphore(%run_scoped3A : memref<!tpu.dma_semaphore, #tpu.memory_space<semaphore_mem>>) src(%dma_wait3A_47 : memref<79x128xi32, #tpu.memory_space<hbm>>) dst(%arg4 : memref<79x128xi32, #tpu.memory_space<vmem>>)
      tpu.yield
    }) : () -> ()
    %broadcast_in_dim3A = arith.constant 1.000000e+00 : f32
    %broadcast_in_dim3A_0 = vector.broadcast %broadcast_in_dim3A : f32 to vector<16xf32>
    %broadcast_in_dim3A_1 = arith.constant 0.000000e+00 : f32
    %broadcast_in_dim3A_2 = vector.broadcast %broadcast_in_dim3A_1 : f32 to vector<16xf32>
    %scan3A = arith.constant 0 : i32
    %scan3A_3 = arith.constant 0 : i32
    %scan3A_4 = arith.constant 8 : i32
    %scan3A_5 = arith.addi %scan3A_3, %scan3A_4 : i32
    %scan3A_6 = arith.constant 1 : i32
    scf.for %scan3A_34 = %scan3A_3 to %scan3A_5 step %scan3A_6  : i32 {
      %mul3A = arith.constant 16 : i32
      %mul3A_35 = arith.muli %scan3A_34, %mul3A : i32
      %multiple_of3A = tpu.assume_multiple %mul3A_35, 16 : i32
      %swap3A = arith.index_cast %multiple_of3A : i32 to index
      %swap3A_36 = tpu.vector_load %arg5[%swap3A] {strides = array<i32>} : memref<128xf32, #tpu.memory_space<vmem>>, vector<16xf32>,
      %swap3A_37 = vector.shape_cast %swap3A_36 : vector<16xf32> to vector<16xf32>
      %swap3A_38 = vector.shape_cast %broadcast_in_dim3A_0 : vector<16xf32> to vector<16xf32>
      tpu.vector_store %arg5[%swap3A], %swap3A_38 {strides = array<i32>} : memref<128xf32, #tpu.memory_space<vmem>>, vector<16xf32>,
    }
    %scan3A_7 = arith.constant 8 : i32
    %scan3A_8 = arith.constant 0 : i32
    %scan3A_9 = arith.constant 0 : i32
    %scan3A_10 = arith.constant 125 : i32
    %scan3A_11 = arith.addi %scan3A_9, %scan3A_10 : i32
    %scan3A_12 = arith.constant 1 : i32
    scf.for %scan3A_34 = %scan3A_9 to %scan3A_11 step %scan3A_12  : i32 {
      %mul3A = arith.constant 16 : i32
      %mul3A_35 = arith.muli %scan3A_34, %mul3A : i32
      %multiple_of3A = tpu.assume_multiple %mul3A_35, 16 : i32
      %swap3A = arith.index_cast %multiple_of3A : i32 to index
      %swap3A_36 = tpu.vector_load %arg6[%swap3A] {strides = array<i32>} : memref<2000xf32, #tpu.memory_space<vmem>>, vector<16xf32>,
      %swap3A_37 = vector.shape_cast %swap3A_36 : vector<16xf32> to vector<16xf32>
      %swap3A_38 = vector.shape_cast %broadcast_in_dim3A_2 : vector<16xf32> to vector<16xf32>
      tpu.vector_store %arg6[%swap3A], %swap3A_38 {strides = array<i32>} : memref<2000xf32, #tpu.memory_space<vmem>>, vector<16xf32>,
    }
    %scan3A_13 = arith.constant 125 : i32
    %lt3A = arith.constant 5 : i32
    %lt3A_14 = arith.cmpi slt, %arg1, %lt3A : i32
    %convert_element_type3A = arith.extui %lt3A_14 : i1 to i32
    %cond3A = arith.constant 0 : i32
    %cond3A_15 = arith.cmpi ne, %convert_element_type3A, %cond3A : i32
    scf.if %cond3A_15 {
      %mul3A = arith.constant 2000 : i32
      %mul3A_34 = arith.muli %arg1, %mul3A : i32
      "tpu.region"() ({
        %run_scoped3A = tpu.sem_alloc : memref<!tpu.dma_semaphore, #tpu.memory_space<semaphore_mem>>
        %dma_start3A = tpu.memref_slice %arg7[%mul3A_34] : memref<10064xf32, #tpu.memory_space<vmem_shared>> -> memref<2000xf32, #tpu.memory_space<vmem_shared>>
        %dma_start3A_35 = tpu.memref_slice %arg7[%mul3A_34] : memref<10064xf32, #tpu.memory_space<vmem_shared>> -> memref<2000xf32, #tpu.memory_space<vmem_shared>>
        tpu.enqueue_dma source(%arg6 : memref<2000xf32, #tpu.memory_space<vmem>>) target(%dma_start3A_35 : memref<2000xf32, #tpu.memory_space<vmem_shared>>) target_semaphore(%run_scoped3A : memref<!tpu.dma_semaphore, #tpu.memory_space<semaphore_mem>>)
        %dma_wait3A = tpu.memref_slice %arg7[%mul3A_34] : memref<10064xf32, #tpu.memory_space<vmem_shared>> -> memref<2000xf32, #tpu.memory_space<vmem_shared>>
        %dma_wait3A_36 = tpu.memref_slice %arg7[%mul3A_34] : memref<10064xf32, #tpu.memory_space<vmem_shared>> -> memref<2000xf32, #tpu.memory_space<vmem_shared>>
        tpu.wait_dma2 semaphore(%run_scoped3A : memref<!tpu.dma_semaphore, #tpu.memory_space<semaphore_mem>>) src(%arg6 : memref<2000xf32, #tpu.memory_space<vmem>>) dst(%dma_wait3A_36 : memref<2000xf32, #tpu.memory_space<vmem_shared>>)
        tpu.yield
      }) : () -> ()
    } else {
    }
    %barrier3A = arith.constant 0 : index
    tpu.barrier barrier_id(%barrier3A)
    %scan3A_16 = arith.constant 0 : i32
    %scan3A_17 = arith.constant 0 : i32
    %scan3A_18 = arith.constant 79 : i32
    %scan3A_19 = arith.addi %scan3A_17, %scan3A_18 : i32
    %scan3A_20 = arith.constant 1 : i32
    scf.for %scan3A_34 = %scan3A_17 to %scan3A_19 step %scan3A_20  : i32 {
      %dma_start3A = arith.constant 0 : i32
      %dma_start3A_35 = tpu.memref_slice %arg4[%scan3A_34, %dma_start3A] : memref<79x128xi32, #tpu.memory_space<vmem>> -> memref<1x128xi32, #tpu.memory_space<vmem>>
      %dma_start3A_36 = tpu.memref_squeeze %dma_start3A_35 : memref<1x128xi32, #tpu.memory_space<vmem>> -> memref<128xi32, #tpu.memory_space<vmem>>
      %dma_start3A_37 = arith.constant 0 : i32
      %dma_start3A_38 = tpu.memref_slice %arg7[%dma_start3A_37] : memref<10064xf32, #tpu.memory_space<vmem_shared>> -> memref<10064xf32, #tpu.memory_space<vmem_shared>>
      tpu.enqueue_indirect_dma source(%arg5 : memref<128xf32, #tpu.memory_space<vmem>>) target(%dma_start3A_38 : memref<10064xf32, #tpu.memory_space<vmem_shared>>) offsets(%dma_start3A_36 : memref<128xi32, #tpu.memory_space<vmem>>) semaphore(%arg8 : memref<!tpu.dma_semaphore, #tpu.memory_space<semaphore_mem>>) {add = true}
    }
    %scan3A_21 = arith.constant 79 : i32
    %scan3A_22 = arith.constant 0 : i32
    %scan3A_23 = arith.constant 0 : i32
    %scan3A_24 = arith.constant 79 : i32
    %scan3A_25 = arith.addi %scan3A_23, %scan3A_24 : i32
    %scan3A_26 = arith.constant 1 : i32
    scf.for %scan3A_34 = %scan3A_23 to %scan3A_25 step %scan3A_26  : i32 {
      %dma_wait3A = arith.constant 0 : i32
      %dma_wait3A_35 = tpu.memref_slice %arg4[%scan3A_34, %dma_wait3A] : memref<79x128xi32, #tpu.memory_space<vmem>> -> memref<1x128xi32, #tpu.memory_space<vmem>>
      %dma_wait3A_36 = tpu.memref_squeeze %dma_wait3A_35 : memref<1x128xi32, #tpu.memory_space<vmem>> -> memref<128xi32, #tpu.memory_space<vmem>>
      %dma_wait3A_37 = arith.constant 0 : i32
      %dma_wait3A_38 = tpu.memref_slice %arg7[%dma_wait3A_37] : memref<10064xf32, #tpu.memory_space<vmem_shared>> -> memref<10064xf32, #tpu.memory_space<vmem_shared>>
      tpu.wait_indirect_dma semaphore(%arg8 : memref<!tpu.dma_semaphore, #tpu.memory_space<semaphore_mem>>) src(%arg5 : memref<128xf32, #tpu.memory_space<vmem>>) dst(%dma_wait3A_38 : memref<10064xf32, #tpu.memory_space<vmem_shared>>)
    }
    %scan3A_27 = arith.constant 79 : i32
    %barrier3A_28 = arith.constant 0 : index
    tpu.barrier barrier_id(%barrier3A_28)
    %lt3A_29 = arith.constant 5 : i32
    %lt3A_30 = arith.cmpi slt, %arg1, %lt3A_29 : i32
    %convert_element_type3A_31 = arith.extui %lt3A_30 : i1 to i32
    %cond3A_32 = arith.constant 0 : i32
    %cond3A_33 = arith.cmpi ne, %convert_element_type3A_31, %cond3A_32 : i32
    scf.if %cond3A_33 {
      %mul3A = arith.constant 2000 : i32
      %mul3A_34 = arith.muli %arg1, %mul3A : i32
      "tpu.region"() ({
        %run_scoped3A = tpu.sem_alloc : memref<!tpu.dma_semaphore, #tpu.memory_space<semaphore_mem>>
        %dma_start3A = tpu.memref_slice %arg7[%mul3A_34] : memref<10064xf32, #tpu.memory_space<vmem_shared>> -> memref<2000xf32, #tpu.memory_space<vmem_shared>>
        %dma_start3A_39 = tpu.memref_slice %arg7[%mul3A_34] : memref<10064xf32, #tpu.memory_space<vmem_shared>> -> memref<2000xf32, #tpu.memory_space<vmem_shared>>
        tpu.enqueue_dma source(%dma_start3A_39 : memref<2000xf32, #tpu.memory_space<vmem_shared>>) target(%arg6 : memref<2000xf32, #tpu.memory_space<vmem>>) target_semaphore(%run_scoped3A : memref<!tpu.dma_semaphore, #tpu.memory_space<semaphore_mem>>)
        %dma_wait3A = tpu.memref_slice %arg7[%mul3A_34] : memref<10064xf32, #tpu.memory_space<vmem_shared>> -> memref<2000xf32, #tpu.memory_space<vmem_shared>>
        %dma_wait3A_40 = tpu.memref_slice %arg7[%mul3A_34] : memref<10064xf32, #tpu.memory_space<vmem_shared>> -> memref<2000xf32, #tpu.memory_space<vmem_shared>>
        tpu.wait_dma2 semaphore(%run_scoped3A : memref<!tpu.dma_semaphore, #tpu.memory_space<semaphore_mem>>) src(%dma_wait3A_40 : memref<2000xf32, #tpu.memory_space<vmem_shared>>) dst(%arg6 : memref<2000xf32, #tpu.memory_space<vmem>>)
        tpu.yield
      }) : () -> ()
      %mul3A_35 = arith.constant 10000 : i32
      %mul3A_36 = arith.muli %arg0, %mul3A_35 : i32
      %mul3A_37 = arith.constant 2000 : i32
      %mul3A_38 = arith.muli %arg1, %mul3A_37 : i32
      %add3A = arith.addi %mul3A_36, %mul3A_38 : i32
      "tpu.region"() ({
        %run_scoped3A = tpu.sem_alloc : memref<!tpu.dma_semaphore, #tpu.memory_space<semaphore_mem>>
        %dma_start3A = tpu.memref_slice %arg3[%add3A] : memref<20000xf32, #tpu.memory_space<hbm>> -> memref<2000xf32, #tpu.memory_space<hbm>>
        %dma_start3A_39 = tpu.memref_slice %arg3[%add3A] : memref<20000xf32, #tpu.memory_space<hbm>> -> memref<2000xf32, #tpu.memory_space<hbm>>
        tpu.enqueue_dma source(%arg6 : memref<2000xf32, #tpu.memory_space<vmem>>) target(%dma_start3A_39 : memref<2000xf32, #tpu.memory_space<hbm>>) target_semaphore(%run_scoped3A : memref<!tpu.dma_semaphore, #tpu.memory_space<semaphore_mem>>)
        %dma_wait3A = tpu.memref_slice %arg3[%add3A] : memref<20000xf32, #tpu.memory_space<hbm>> -> memref<2000xf32, #tpu.memory_space<hbm>>
        %dma_wait3A_40 = tpu.memref_slice %arg3[%add3A] : memref<20000xf32, #tpu.memory_space<hbm>> -> memref<2000xf32, #tpu.memory_space<hbm>>
        tpu.wait_dma2 semaphore(%run_scoped3A : memref<!tpu.dma_semaphore, #tpu.memory_space<semaphore_mem>>) src(%arg6 : memref<2000xf32, #tpu.memory_space<vmem>>) dst(%dma_wait3A_40 : memref<2000xf32, #tpu.memory_space<hbm>>)
        tpu.yield
      }) : () -> ()
    } else {
    }
    return
  }
}

#map = affine_map<(d0, d1) -> (0, 0, 0)>
module attributes {stable_mosaic.version = 14 : i64} {
  func.func @msg_kernel(%arg0: i32, %arg1: i32, %arg2: memref<2x10000x64xf32, #tpu.memory_space<hbm>>, %arg3: memref<16x162x128xi32, #tpu.memory_space<hbm>>, %arg4: memref<16x162x128xi32, #tpu.memory_space<hbm>>, %arg5: memref<2x10000x64xf32, #tpu.memory_space<hbm>>, %arg6: memref<162x128xi32, #tpu.memory_space<vmem>>, %arg7: memref<162x128xi32, #tpu.memory_space<vmem>>, %arg8: memref<4x128x64xf32, #tpu.memory_space<vmem>>, %arg9: memref<200x64xf32, #tpu.memory_space<vmem>>, %arg10: memref<10064x64xf32, #tpu.memory_space<vmem_shared>>, %arg11: memref<!tpu.dma_semaphore, #tpu.memory_space<semaphore_mem>>, %arg12: memref<!tpu.dma_semaphore, #tpu.memory_space<semaphore_mem>>, %arg13: memref<!tpu.dma_semaphore, #tpu.memory_space<semaphore_mem>>, %arg14: memref<!tpu.dma_semaphore, #tpu.memory_space<semaphore_mem>>, %arg15: memref<!tpu.dma_semaphore, #tpu.memory_space<semaphore_mem>>, %arg16: memref<!tpu.dma_semaphore, #tpu.memory_space<semaphore_mem>>, %arg17: memref<!tpu.dma_semaphore, #tpu.memory_space<semaphore_mem>>, %arg18: memref<!tpu.dma_semaphore, #tpu.memory_space<semaphore_mem>>) attributes {dimension_semantics = [#tpu.dimension_semantics<core_parallel>, #tpu.dimension_semantics<subcore_parallel>], iteration_bounds = array<i64: 2, 16>, scalar_prefetch = 0 : i64, scratch_operands = 13 : i64, tpu.core_type = #tpu.core_type<sc_vector_subcore>, window_params = [{transform_indices = #map}, {transform_indices = #map}, {transform_indices = #map}, {transform_indices = #map}]} {
    %dma_start3A = arith.constant 0 : i32
    %dma_start3A_0 = arith.constant 0 : i32
    %dma_start3A_1 = tpu.memref_slice %arg3[%arg1, %dma_start3A, %dma_start3A_0] : memref<16x162x128xi32, #tpu.memory_space<hbm>> -> memref<1x162x128xi32, #tpu.memory_space<hbm>>
    %dma_start3A_2 = tpu.memref_squeeze %dma_start3A_1 : memref<1x162x128xi32, #tpu.memory_space<hbm>> -> memref<162x128xi32, #tpu.memory_space<hbm>>
    %dma_start3A_3 = arith.constant 0 : i32
    %dma_start3A_4 = arith.constant 0 : i32
    %dma_start3A_5 = tpu.memref_slice %arg3[%arg1, %dma_start3A_3, %dma_start3A_4] : memref<16x162x128xi32, #tpu.memory_space<hbm>> -> memref<1x162x128xi32, #tpu.memory_space<hbm>>
    %dma_start3A_6 = tpu.memref_squeeze %dma_start3A_5 : memref<1x162x128xi32, #tpu.memory_space<hbm>> -> memref<162x128xi32, #tpu.memory_space<hbm>>
    tpu.enqueue_dma source(%dma_start3A_6 : memref<162x128xi32, #tpu.memory_space<hbm>>) target(%arg6 : memref<162x128xi32, #tpu.memory_space<vmem>>) target_semaphore(%arg11 : memref<!tpu.dma_semaphore, #tpu.memory_space<semaphore_mem>>)
    %dma_start3A_7 = arith.constant 0 : i32
    %dma_start3A_8 = arith.constant 0 : i32
    %dma_start3A_9 = tpu.memref_slice %arg4[%arg1, %dma_start3A_7, %dma_start3A_8] : memref<16x162x128xi32, #tpu.memory_space<hbm>> -> memref<1x162x128xi32, #tpu.memory_space<hbm>>
    %dma_start3A_10 = tpu.memref_squeeze %dma_start3A_9 : memref<1x162x128xi32, #tpu.memory_space<hbm>> -> memref<162x128xi32, #tpu.memory_space<hbm>>
    %dma_start3A_11 = arith.constant 0 : i32
    %dma_start3A_12 = arith.constant 0 : i32
    %dma_start3A_13 = tpu.memref_slice %arg4[%arg1, %dma_start3A_11, %dma_start3A_12] : memref<16x162x128xi32, #tpu.memory_space<hbm>> -> memref<1x162x128xi32, #tpu.memory_space<hbm>>
    %dma_start3A_14 = tpu.memref_squeeze %dma_start3A_13 : memref<1x162x128xi32, #tpu.memory_space<hbm>> -> memref<162x128xi32, #tpu.memory_space<hbm>>
    tpu.enqueue_dma source(%dma_start3A_14 : memref<162x128xi32, #tpu.memory_space<hbm>>) target(%arg7 : memref<162x128xi32, #tpu.memory_space<vmem>>) target_semaphore(%arg12 : memref<!tpu.dma_semaphore, #tpu.memory_space<semaphore_mem>>)
    %broadcast_in_dim3A = arith.constant 0.000000e+00 : f32
    %broadcast_in_dim3A_15 = vector.broadcast %broadcast_in_dim3A : f32 to vector<16xf32>
    %scan3A = arith.constant 0 : i32
    %scan3A_16 = arith.constant 0 : i32
    %scan3A_17 = arith.constant 800 : i32
    %scan3A_18 = arith.addi %scan3A_16, %scan3A_17 : i32
    %scan3A_19 = arith.constant 1 : i32
    scf.for %scan3A_186 = %scan3A_16 to %scan3A_18 step %scan3A_19  : i32 {
      %jit3A = arith.constant 4 : i32
      %div3A = arith.divsi %scan3A_186, %jit3A : i32
      %sign3A = arith.constant 0 : i32
      %sign3A_187 = arith.cmpi sgt, %scan3A_186, %sign3A : i32
      %sign3A_188 = arith.extui %sign3A_187 : i1 to i32
      %sign3A_189 = arith.constant 0 : i32
      %sign3A_190 = arith.cmpi slt, %scan3A_186, %sign3A_189 : i32
      %sign3A_191 = arith.extui %sign3A_190 : i1 to i32
      %sign3A_192 = arith.subi %sign3A_188, %sign3A_191 : i32
      %sign3A_193 = arith.constant 0 : i32
      %sign3A_194 = arith.cmpi sgt, %jit3A, %sign3A_193 : i32
      %sign3A_195 = arith.extui %sign3A_194 : i1 to i32
      %sign3A_196 = arith.constant 0 : i32
      %sign3A_197 = arith.cmpi slt, %jit3A, %sign3A_196 : i32
      %sign3A_198 = arith.extui %sign3A_197 : i1 to i32
      %sign3A_199 = arith.subi %sign3A_195, %sign3A_198 : i32
      %ne3A = arith.cmpi ne, %sign3A_192, %sign3A_199 : i32
      %rem3A = arith.remsi %scan3A_186, %jit3A : i32
      %ne3A_200 = arith.constant 0 : i32
      %ne3A_201 = arith.cmpi ne, %rem3A, %ne3A_200 : i32
      %and3A = arith.andi %ne3A, %ne3A_201 : i1
      %sub3A = arith.constant 1 : i32
      %sub3A_202 = arith.subi %div3A, %sub3A : i32
      %select_n3A = arith.select %and3A, %sub3A_202, %div3A : i32
      %jit3A_203 = arith.constant 4 : i32
      %eq3A = arith.constant 0 : i32
      %eq3A_204 = arith.cmpi eq, %jit3A_203, %eq3A : i32
      %jit3A_205 = arith.constant 1 : i32
      %select_n3A_206 = arith.select %eq3A_204, %jit3A_205, %jit3A_203 : i32
      %rem3A_207 = arith.remsi %scan3A_186, %select_n3A_206 : i32
      %ne3A_208 = arith.constant 0 : i32
      %ne3A_209 = arith.cmpi ne, %rem3A_207, %ne3A_208 : i32
      %lt3A_210 = arith.constant 0 : i32
      %lt3A_211 = arith.cmpi slt, %rem3A_207, %lt3A_210 : i32
      %lt3A_212 = arith.constant 0 : i32
      %lt3A_213 = arith.cmpi slt, %select_n3A_206, %lt3A_212 : i32
      %ne3A_214 = arith.xori %lt3A_211, %lt3A_213 : i1
      %and3A_215 = arith.andi %ne3A_214, %ne3A_209 : i1
      %add3A = arith.addi %rem3A_207, %select_n3A_206 : i32
      %select_n3A_216 = arith.select %and3A_215, %add3A, %rem3A_207 : i32
      %mul3A = arith.constant 16 : i32
      %mul3A_217 = arith.muli %select_n3A_216, %mul3A : i32
      %multiple_of3A = tpu.assume_multiple %mul3A_217, 16 : i32
      %swap3A = arith.index_cast %select_n3A : i32 to index
      %swap3A_218 = arith.index_cast %multiple_of3A : i32 to index
      %swap3A_219 = tpu.vector_load %arg9[%swap3A, %swap3A_218] {strides = array<i32>} : memref<200x64xf32, #tpu.memory_space<vmem>>, vector<1x16xf32>,
      %swap3A_220 = vector.shape_cast %swap3A_219 : vector<1x16xf32> to vector<16xf32>
      %swap3A_221 = vector.shape_cast %broadcast_in_dim3A_15 : vector<16xf32> to vector<1x16xf32>
      tpu.vector_store %arg9[%swap3A, %swap3A_218], %swap3A_221 {strides = array<i32>} : memref<200x64xf32, #tpu.memory_space<vmem>>, vector<1x16xf32>,
    }
    %scan3A_20 = arith.constant 800 : i32
    %lt3A = arith.constant 10 : i32
    %lt3A_21 = arith.cmpi slt, %arg1, %lt3A : i32
    %convert_element_type3A = arith.extui %lt3A_21 : i1 to i32
    %cond3A = arith.constant 0 : i32
    %cond3A_22 = arith.cmpi ne, %convert_element_type3A, %cond3A : i32
    scf.if %cond3A_22 {
      %scan3A_186 = arith.constant 0 : i32
      %scan3A_187 = arith.constant 0 : i32
      %scan3A_188 = arith.constant 5 : i32
      %scan3A_189 = arith.addi %scan3A_187, %scan3A_188 : i32
      %scan3A_190 = arith.constant 1 : i32
      scf.for %scan3A_192 = %scan3A_187 to %scan3A_189 step %scan3A_190  : i32 {
        %mul3A = arith.constant 1000 : i32
        %mul3A_193 = arith.muli %arg1, %mul3A : i32
        %mul3A_194 = arith.constant 200 : i32
        %mul3A_195 = arith.muli %scan3A_192, %mul3A_194 : i32
        %add3A = arith.addi %mul3A_193, %mul3A_195 : i32
        "tpu.region"() ({
          %run_scoped3A = tpu.sem_alloc : memref<!tpu.dma_semaphore, #tpu.memory_space<semaphore_mem>>
          %dma_start3A_196 = arith.constant 0 : i32
          %dma_start3A_197 = tpu.memref_slice %arg10[%add3A, %dma_start3A_196] : memref<10064x64xf32, #tpu.memory_space<vmem_shared>> -> memref<200x64xf32, #tpu.memory_space<vmem_shared>>
          %dma_start3A_198 = arith.constant 0 : i32
          %dma_start3A_199 = tpu.memref_slice %arg10[%add3A, %dma_start3A_198] : memref<10064x64xf32, #tpu.memory_space<vmem_shared>> -> memref<200x64xf32, #tpu.memory_space<vmem_shared>>
          tpu.enqueue_dma source(%arg9 : memref<200x64xf32, #tpu.memory_space<vmem>>) target(%dma_start3A_199 : memref<200x64xf32, #tpu.memory_space<vmem_shared>>) target_semaphore(%run_scoped3A : memref<!tpu.dma_semaphore, #tpu.memory_space<semaphore_mem>>)
          %dma_wait3A_200 = arith.constant 0 : i32
          %dma_wait3A_201 = tpu.memref_slice %arg10[%add3A, %dma_wait3A_200] : memref<10064x64xf32, #tpu.memory_space<vmem_shared>> -> memref<200x64xf32, #tpu.memory_space<vmem_shared>>
          %dma_wait3A_202 = arith.constant 0 : i32
          %dma_wait3A_203 = tpu.memref_slice %arg10[%add3A, %dma_wait3A_202] : memref<10064x64xf32, #tpu.memory_space<vmem_shared>> -> memref<200x64xf32, #tpu.memory_space<vmem_shared>>
          tpu.wait_dma2 semaphore(%run_scoped3A : memref<!tpu.dma_semaphore, #tpu.memory_space<semaphore_mem>>) src(%arg9 : memref<200x64xf32, #tpu.memory_space<vmem>>) dst(%dma_wait3A_203 : memref<200x64xf32, #tpu.memory_space<vmem_shared>>)
          tpu.yield
        }) : () -> ()
      }
      %scan3A_191 = arith.constant 5 : i32
    } else {
    }
    %dma_wait3A = arith.constant 0 : i32
    %dma_wait3A_23 = arith.constant 0 : i32
    %dma_wait3A_24 = tpu.memref_slice %arg3[%arg1, %dma_wait3A, %dma_wait3A_23] : memref<16x162x128xi32, #tpu.memory_space<hbm>> -> memref<1x162x128xi32, #tpu.memory_space<hbm>>
    %dma_wait3A_25 = tpu.memref_squeeze %dma_wait3A_24 : memref<1x162x128xi32, #tpu.memory_space<hbm>> -> memref<162x128xi32, #tpu.memory_space<hbm>>
    %dma_wait3A_26 = arith.constant 0 : i32
    %dma_wait3A_27 = arith.constant 0 : i32
    %dma_wait3A_28 = tpu.memref_slice %arg3[%arg1, %dma_wait3A_26, %dma_wait3A_27] : memref<16x162x128xi32, #tpu.memory_space<hbm>> -> memref<1x162x128xi32, #tpu.memory_space<hbm>>
    %dma_wait3A_29 = tpu.memref_squeeze %dma_wait3A_28 : memref<1x162x128xi32, #tpu.memory_space<hbm>> -> memref<162x128xi32, #tpu.memory_space<hbm>>
    tpu.wait_dma2 semaphore(%arg11 : memref<!tpu.dma_semaphore, #tpu.memory_space<semaphore_mem>>) src(%dma_wait3A_29 : memref<162x128xi32, #tpu.memory_space<hbm>>) dst(%arg6 : memref<162x128xi32, #tpu.memory_space<vmem>>)
    %dma_wait3A_30 = arith.constant 0 : i32
    %dma_wait3A_31 = arith.constant 0 : i32
    %dma_wait3A_32 = tpu.memref_slice %arg4[%arg1, %dma_wait3A_30, %dma_wait3A_31] : memref<16x162x128xi32, #tpu.memory_space<hbm>> -> memref<1x162x128xi32, #tpu.memory_space<hbm>>
    %dma_wait3A_33 = tpu.memref_squeeze %dma_wait3A_32 : memref<1x162x128xi32, #tpu.memory_space<hbm>> -> memref<162x128xi32, #tpu.memory_space<hbm>>
    %dma_wait3A_34 = arith.constant 0 : i32
    %dma_wait3A_35 = arith.constant 0 : i32
    %dma_wait3A_36 = tpu.memref_slice %arg4[%arg1, %dma_wait3A_34, %dma_wait3A_35] : memref<16x162x128xi32, #tpu.memory_space<hbm>> -> memref<1x162x128xi32, #tpu.memory_space<hbm>>
    %dma_wait3A_37 = tpu.memref_squeeze %dma_wait3A_36 : memref<1x162x128xi32, #tpu.memory_space<hbm>> -> memref<162x128xi32, #tpu.memory_space<hbm>>
    tpu.wait_dma2 semaphore(%arg12 : memref<!tpu.dma_semaphore, #tpu.memory_space<semaphore_mem>>) src(%dma_wait3A_37 : memref<162x128xi32, #tpu.memory_space<hbm>>) dst(%arg7 : memref<162x128xi32, #tpu.memory_space<vmem>>)
    %barrier3A = arith.constant 0 : index
    tpu.barrier barrier_id(%barrier3A)
    %dma_start3A_38 = arith.constant 0 : i32
    %dma_start3A_39 = arith.constant 0 : i32
    %dma_start3A_40 = arith.constant 0 : i32
    %dma_start3A_41 = arith.constant 0 : i32
    %dma_start3A_42 = tpu.memref_slice %arg8[%dma_start3A_39, %dma_start3A_40, %dma_start3A_41] : memref<4x128x64xf32, #tpu.memory_space<vmem>> -> memref<1x128x64xf32, #tpu.memory_space<vmem>>
    %dma_start3A_43 = tpu.memref_squeeze %dma_start3A_42 : memref<1x128x64xf32, #tpu.memory_space<vmem>> -> memref<128x64xf32, #tpu.memory_space<vmem>>
    %dma_start3A_44 = arith.constant 0 : i32
    %dma_start3A_45 = tpu.memref_slice %arg6[%dma_start3A_38, %dma_start3A_44] : memref<162x128xi32, #tpu.memory_space<vmem>> -> memref<1x128xi32, #tpu.memory_space<vmem>>
    %dma_start3A_46 = tpu.memref_squeeze %dma_start3A_45 : memref<1x128xi32, #tpu.memory_space<vmem>> -> memref<128xi32, #tpu.memory_space<vmem>>
    %dma_start3A_47 = arith.constant 0 : i32
    %dma_start3A_48 = arith.constant 0 : i32
    %dma_start3A_49 = tpu.memref_slice %arg2[%arg0, %dma_start3A_47, %dma_start3A_48] : memref<2x10000x64xf32, #tpu.memory_space<hbm>> -> memref<1x10000x64xf32, #tpu.memory_space<hbm>>
    %dma_start3A_50 = tpu.memref_squeeze %dma_start3A_49 : memref<1x10000x64xf32, #tpu.memory_space<hbm>> -> memref<10000x64xf32, #tpu.memory_space<hbm>>
    %dma_start3A_51 = arith.constant 0 : i32
    %dma_start3A_52 = arith.constant 0 : i32
    %dma_start3A_53 = tpu.memref_slice %dma_start3A_50[%dma_start3A_51, %dma_start3A_52] : memref<10000x64xf32, #tpu.memory_space<hbm>> -> memref<10000x64xf32, #tpu.memory_space<hbm>>
    tpu.enqueue_indirect_dma source(%dma_start3A_53 : memref<10000x64xf32, #tpu.memory_space<hbm>>) target(%dma_start3A_43 : memref<128x64xf32, #tpu.memory_space<vmem>>) offsets(%dma_start3A_46 : memref<128xi32, #tpu.memory_space<vmem>>) semaphore(%arg11 : memref<!tpu.dma_semaphore, #tpu.memory_space<semaphore_mem>>)
    %dma_start3A_54 = arith.constant 1 : i32
    %dma_start3A_55 = arith.constant 1 : i32
    %dma_start3A_56 = arith.constant 0 : i32
    %dma_start3A_57 = arith.constant 0 : i32
    %dma_start3A_58 = tpu.memref_slice %arg8[%dma_start3A_55, %dma_start3A_56, %dma_start3A_57] : memref<4x128x64xf32, #tpu.memory_space<vmem>> -> memref<1x128x64xf32, #tpu.memory_space<vmem>>
    %dma_start3A_59 = tpu.memref_squeeze %dma_start3A_58 : memref<1x128x64xf32, #tpu.memory_space<vmem>> -> memref<128x64xf32, #tpu.memory_space<vmem>>
    %dma_start3A_60 = arith.constant 0 : i32
    %dma_start3A_61 = tpu.memref_slice %arg6[%dma_start3A_54, %dma_start3A_60] : memref<162x128xi32, #tpu.memory_space<vmem>> -> memref<1x128xi32, #tpu.memory_space<vmem>>
    %dma_start3A_62 = tpu.memref_squeeze %dma_start3A_61 : memref<1x128xi32, #tpu.memory_space<vmem>> -> memref<128xi32, #tpu.memory_space<vmem>>
    %dma_start3A_63 = arith.constant 0 : i32
    %dma_start3A_64 = arith.constant 0 : i32
    %dma_start3A_65 = tpu.memref_slice %arg2[%arg0, %dma_start3A_63, %dma_start3A_64] : memref<2x10000x64xf32, #tpu.memory_space<hbm>> -> memref<1x10000x64xf32, #tpu.memory_space<hbm>>
    %dma_start3A_66 = tpu.memref_squeeze %dma_start3A_65 : memref<1x10000x64xf32, #tpu.memory_space<hbm>> -> memref<10000x64xf32, #tpu.memory_space<hbm>>
    %dma_start3A_67 = arith.constant 0 : i32
    %dma_start3A_68 = arith.constant 0 : i32
    %dma_start3A_69 = tpu.memref_slice %dma_start3A_66[%dma_start3A_67, %dma_start3A_68] : memref<10000x64xf32, #tpu.memory_space<hbm>> -> memref<10000x64xf32, #tpu.memory_space<hbm>>
    tpu.enqueue_indirect_dma source(%dma_start3A_69 : memref<10000x64xf32, #tpu.memory_space<hbm>>) target(%dma_start3A_59 : memref<128x64xf32, #tpu.memory_space<vmem>>) offsets(%dma_start3A_62 : memref<128xi32, #tpu.memory_space<vmem>>) semaphore(%arg12 : memref<!tpu.dma_semaphore, #tpu.memory_space<semaphore_mem>>)
    %scan3A_70 = arith.constant 0 : i32
    %scan3A_71 = arith.constant 0 : i32
    %scan3A_72 = arith.constant 40 : i32
    %scan3A_73 = arith.addi %scan3A_71, %scan3A_72 : i32
    %scan3A_74 = arith.constant 1 : i32
    scf.for %scan3A_186 = %scan3A_71 to %scan3A_73 step %scan3A_74  : i32 {
      %mul3A = arith.constant 4 : i32
      %mul3A_187 = arith.muli %scan3A_186, %mul3A : i32
      %add3A = arith.constant 0 : i32
      %add3A_188 = arith.addi %mul3A_187, %add3A : i32
      %dma_wait3A_189 = arith.constant 0 : i32
      %dma_wait3A_190 = arith.constant 0 : i32
      %dma_wait3A_191 = arith.constant 0 : i32
      %dma_wait3A_192 = tpu.memref_slice %arg8[%dma_wait3A_189, %dma_wait3A_190, %dma_wait3A_191] : memref<4x128x64xf32, #tpu.memory_space<vmem>> -> memref<1x128x64xf32, #tpu.memory_space<vmem>>
      %dma_wait3A_193 = tpu.memref_squeeze %dma_wait3A_192 : memref<1x128x64xf32, #tpu.memory_space<vmem>> -> memref<128x64xf32, #tpu.memory_space<vmem>>
      %dma_wait3A_194 = arith.constant 0 : i32
      %dma_wait3A_195 = tpu.memref_slice %arg6[%add3A_188, %dma_wait3A_194] : memref<162x128xi32, #tpu.memory_space<vmem>> -> memref<1x128xi32, #tpu.memory_space<vmem>>
      %dma_wait3A_196 = tpu.memref_squeeze %dma_wait3A_195 : memref<1x128xi32, #tpu.memory_space<vmem>> -> memref<128xi32, #tpu.memory_space<vmem>>
      %dma_wait3A_197 = arith.constant 0 : i32
      %dma_wait3A_198 = arith.constant 0 : i32
      %dma_wait3A_199 = tpu.memref_slice %arg2[%arg0, %dma_wait3A_197, %dma_wait3A_198] : memref<2x10000x64xf32, #tpu.memory_space<hbm>> -> memref<1x10000x64xf32, #tpu.memory_space<hbm>>
      %dma_wait3A_200 = tpu.memref_squeeze %dma_wait3A_199 : memref<1x10000x64xf32, #tpu.memory_space<hbm>> -> memref<10000x64xf32, #tpu.memory_space<hbm>>
      %dma_wait3A_201 = arith.constant 0 : i32
      %dma_wait3A_202 = arith.constant 0 : i32
      %dma_wait3A_203 = tpu.memref_slice %dma_wait3A_200[%dma_wait3A_201, %dma_wait3A_202] : memref<10000x64xf32, #tpu.memory_space<hbm>> -> memref<10000x64xf32, #tpu.memory_space<hbm>>
      tpu.wait_indirect_dma semaphore(%arg11 : memref<!tpu.dma_semaphore, #tpu.memory_space<semaphore_mem>>) src(%dma_wait3A_203 : memref<10000x64xf32, #tpu.memory_space<hbm>>) dst(%dma_wait3A_193 : memref<128x64xf32, #tpu.memory_space<vmem>>)
      %dma_start3A_204 = arith.constant 0 : i32
      %dma_start3A_205 = arith.constant 0 : i32
      %dma_start3A_206 = arith.constant 0 : i32
      %dma_start3A_207 = tpu.memref_slice %arg8[%dma_start3A_204, %dma_start3A_205, %dma_start3A_206] : memref<4x128x64xf32, #tpu.memory_space<vmem>> -> memref<1x128x64xf32, #tpu.memory_space<vmem>>
      %dma_start3A_208 = tpu.memref_squeeze %dma_start3A_207 : memref<1x128x64xf32, #tpu.memory_space<vmem>> -> memref<128x64xf32, #tpu.memory_space<vmem>>
      %dma_start3A_209 = arith.constant 0 : i32
      %dma_start3A_210 = tpu.memref_slice %arg7[%add3A_188, %dma_start3A_209] : memref<162x128xi32, #tpu.memory_space<vmem>> -> memref<1x128xi32, #tpu.memory_space<vmem>>
      %dma_start3A_211 = tpu.memref_squeeze %dma_start3A_210 : memref<1x128xi32, #tpu.memory_space<vmem>> -> memref<128xi32, #tpu.memory_space<vmem>>
      %dma_start3A_212 = arith.constant 0 : i32
      %dma_start3A_213 = arith.constant 0 : i32
      %dma_start3A_214 = tpu.memref_slice %arg10[%dma_start3A_212, %dma_start3A_213] : memref<10064x64xf32, #tpu.memory_space<vmem_shared>> -> memref<10064x64xf32, #tpu.memory_space<vmem_shared>>
      tpu.enqueue_indirect_dma source(%dma_start3A_208 : memref<128x64xf32, #tpu.memory_space<vmem>>) target(%dma_start3A_214 : memref<10064x64xf32, #tpu.memory_space<vmem_shared>>) offsets(%dma_start3A_211 : memref<128xi32, #tpu.memory_space<vmem>>) semaphore(%arg15 : memref<!tpu.dma_semaphore, #tpu.memory_space<semaphore_mem>>) {add = true}
      %sub3A = arith.constant 2 : i32
      %sub3A_215 = arith.subi %add3A_188, %sub3A : i32
      %ge3A = arith.constant 0 : i32
      %ge3A_216 = arith.cmpi sge, %sub3A_215, %ge3A : i32
      %convert_element_type3A_217 = arith.extui %ge3A_216 : i1 to i32
      %cond3A_218 = arith.constant 0 : i32
      %cond3A_219 = arith.cmpi ne, %convert_element_type3A_217, %cond3A_218 : i32
      scf.if %cond3A_219 {
        %dma_wait3A_359 = arith.constant 2 : i32
        %dma_wait3A_360 = arith.constant 0 : i32
        %dma_wait3A_361 = arith.constant 0 : i32
        %dma_wait3A_362 = tpu.memref_slice %arg8[%dma_wait3A_359, %dma_wait3A_360, %dma_wait3A_361] : memref<4x128x64xf32, #tpu.memory_space<vmem>> -> memref<1x128x64xf32, #tpu.memory_space<vmem>>
        %dma_wait3A_363 = tpu.memref_squeeze %dma_wait3A_362 : memref<1x128x64xf32, #tpu.memory_space<vmem>> -> memref<128x64xf32, #tpu.memory_space<vmem>>
        %dma_wait3A_364 = arith.constant 0 : i32
        %dma_wait3A_365 = tpu.memref_slice %arg7[%sub3A_215, %dma_wait3A_364] : memref<162x128xi32, #tpu.memory_space<vmem>> -> memref<1x128xi32, #tpu.memory_space<vmem>>
        %dma_wait3A_366 = tpu.memref_squeeze %dma_wait3A_365 : memref<1x128xi32, #tpu.memory_space<vmem>> -> memref<128xi32, #tpu.memory_space<vmem>>
        %dma_wait3A_367 = arith.constant 0 : i32
        %dma_wait3A_368 = arith.constant 0 : i32
        %dma_wait3A_369 = tpu.memref_slice %arg10[%dma_wait3A_367, %dma_wait3A_368] : memref<10064x64xf32, #tpu.memory_space<vmem_shared>> -> memref<10064x64xf32, #tpu.memory_space<vmem_shared>>
        tpu.wait_indirect_dma semaphore(%arg17 : memref<!tpu.dma_semaphore, #tpu.memory_space<semaphore_mem>>) src(%dma_wait3A_363 : memref<128x64xf32, #tpu.memory_space<vmem>>) dst(%dma_wait3A_369 : memref<10064x64xf32, #tpu.memory_space<vmem_shared>>)
      } else {
      }
      %add3A_220 = arith.constant 2 : i32
      %add3A_221 = arith.addi %add3A_188, %add3A_220 : i32
      %lt3A_222 = arith.constant 162 : i32
      %lt3A_223 = arith.cmpi slt, %add3A_221, %lt3A_222 : i32
      %convert_element_type3A_224 = arith.extui %lt3A_223 : i1 to i32
      %cond3A_225 = arith.constant 0 : i32
      %cond3A_226 = arith.cmpi ne, %convert_element_type3A_224, %cond3A_225 : i32
      scf.if %cond3A_226 {
        %dma_start3A_359 = arith.constant 2 : i32
        %dma_start3A_360 = arith.constant 0 : i32
        %dma_start3A_361 = arith.constant 0 : i32
        %dma_start3A_362 = tpu.memref_slice %arg8[%dma_start3A_359, %dma_start3A_360, %dma_start3A_361] : memref<4x128x64xf32, #tpu.memory_space<vmem>> -> memref<1x128x64xf32, #tpu.memory_space<vmem>>
        %dma_start3A_363 = tpu.memref_squeeze %dma_start3A_362 : memref<1x128x64xf32, #tpu.memory_space<vmem>> -> memref<128x64xf32, #tpu.memory_space<vmem>>
        %dma_start3A_364 = arith.constant 0 : i32
        %dma_start3A_365 = tpu.memref_slice %arg6[%add3A_221, %dma_start3A_364] : memref<162x128xi32, #tpu.memory_space<vmem>> -> memref<1x128xi32, #tpu.memory_space<vmem>>
        %dma_start3A_366 = tpu.memref_squeeze %dma_start3A_365 : memref<1x128xi32, #tpu.memory_space<vmem>> -> memref<128xi32, #tpu.memory_space<vmem>>
        %dma_start3A_367 = arith.constant 0 : i32
        %dma_start3A_368 = arith.constant 0 : i32
        %dma_start3A_369 = tpu.memref_slice %arg2[%arg0, %dma_start3A_367, %dma_start3A_368] : memref<2x10000x64xf32, #tpu.memory_space<hbm>> -> memref<1x10000x64xf32, #tpu.memory_space<hbm>>
        %dma_start3A_370 = tpu.memref_squeeze %dma_start3A_369 : memref<1x10000x64xf32, #tpu.memory_space<hbm>> -> memref<10000x64xf32, #tpu.memory_space<hbm>>
        %dma_start3A_371 = arith.constant 0 : i32
        %dma_start3A_372 = arith.constant 0 : i32
        %dma_start3A_373 = tpu.memref_slice %dma_start3A_370[%dma_start3A_371, %dma_start3A_372] : memref<10000x64xf32, #tpu.memory_space<hbm>> -> memref<10000x64xf32, #tpu.memory_space<hbm>>
        tpu.enqueue_indirect_dma source(%dma_start3A_373 : memref<10000x64xf32, #tpu.memory_space<hbm>>) target(%dma_start3A_363 : memref<128x64xf32, #tpu.memory_space<vmem>>) offsets(%dma_start3A_366 : memref<128xi32, #tpu.memory_space<vmem>>) semaphore(%arg13 : memref<!tpu.dma_semaphore, #tpu.memory_space<semaphore_mem>>)
      } else {
      }
      %mul3A_227 = arith.constant 4 : i32
      %mul3A_228 = arith.muli %scan3A_186, %mul3A_227 : i32
      %add3A_229 = arith.constant 1 : i32
      %add3A_230 = arith.addi %mul3A_228, %add3A_229 : i32
      %dma_wait3A_231 = arith.constant 1 : i32
      %dma_wait3A_232 = arith.constant 0 : i32
      %dma_wait3A_233 = arith.constant 0 : i32
      %dma_wait3A_234 = tpu.memref_slice %arg8[%dma_wait3A_231, %dma_wait3A_232, %dma_wait3A_233] : memref<4x128x64xf32, #tpu.memory_space<vmem>> -> memref<1x128x64xf32, #tpu.memory_space<vmem>>
      %dma_wait3A_235 = tpu.memref_squeeze %dma_wait3A_234 : memref<1x128x64xf32, #tpu.memory_space<vmem>> -> memref<128x64xf32, #tpu.memory_space<vmem>>
      %dma_wait3A_236 = arith.constant 0 : i32
      %dma_wait3A_237 = tpu.memref_slice %arg6[%add3A_230, %dma_wait3A_236] : memref<162x128xi32, #tpu.memory_space<vmem>> -> memref<1x128xi32, #tpu.memory_space<vmem>>
      %dma_wait3A_238 = tpu.memref_squeeze %dma_wait3A_237 : memref<1x128xi32, #tpu.memory_space<vmem>> -> memref<128xi32, #tpu.memory_space<vmem>>
      %dma_wait3A_239 = arith.constant 0 : i32
      %dma_wait3A_240 = arith.constant 0 : i32
      %dma_wait3A_241 = tpu.memref_slice %arg2[%arg0, %dma_wait3A_239, %dma_wait3A_240] : memref<2x10000x64xf32, #tpu.memory_space<hbm>> -> memref<1x10000x64xf32, #tpu.memory_space<hbm>>
      %dma_wait3A_242 = tpu.memref_squeeze %dma_wait3A_241 : memref<1x10000x64xf32, #tpu.memory_space<hbm>> -> memref<10000x64xf32, #tpu.memory_space<hbm>>
      %dma_wait3A_243 = arith.constant 0 : i32
      %dma_wait3A_244 = arith.constant 0 : i32
      %dma_wait3A_245 = tpu.memref_slice %dma_wait3A_242[%dma_wait3A_243, %dma_wait3A_244] : memref<10000x64xf32, #tpu.memory_space<hbm>> -> memref<10000x64xf32, #tpu.memory_space<hbm>>
      tpu.wait_indirect_dma semaphore(%arg12 : memref<!tpu.dma_semaphore, #tpu.memory_space<semaphore_mem>>) src(%dma_wait3A_245 : memref<10000x64xf32, #tpu.memory_space<hbm>>) dst(%dma_wait3A_235 : memref<128x64xf32, #tpu.memory_space<vmem>>)
      %dma_start3A_246 = arith.constant 1 : i32
      %dma_start3A_247 = arith.constant 0 : i32
      %dma_start3A_248 = arith.constant 0 : i32
      %dma_start3A_249 = tpu.memref_slice %arg8[%dma_start3A_246, %dma_start3A_247, %dma_start3A_248] : memref<4x128x64xf32, #tpu.memory_space<vmem>> -> memref<1x128x64xf32, #tpu.memory_space<vmem>>
      %dma_start3A_250 = tpu.memref_squeeze %dma_start3A_249 : memref<1x128x64xf32, #tpu.memory_space<vmem>> -> memref<128x64xf32, #tpu.memory_space<vmem>>
      %dma_start3A_251 = arith.constant 0 : i32
      %dma_start3A_252 = tpu.memref_slice %arg7[%add3A_230, %dma_start3A_251] : memref<162x128xi32, #tpu.memory_space<vmem>> -> memref<1x128xi32, #tpu.memory_space<vmem>>
      %dma_start3A_253 = tpu.memref_squeeze %dma_start3A_252 : memref<1x128xi32, #tpu.memory_space<vmem>> -> memref<128xi32, #tpu.memory_space<vmem>>
      %dma_start3A_254 = arith.constant 0 : i32
      %dma_start3A_255 = arith.constant 0 : i32
      %dma_start3A_256 = tpu.memref_slice %arg10[%dma_start3A_254, %dma_start3A_255] : memref<10064x64xf32, #tpu.memory_space<vmem_shared>> -> memref<10064x64xf32, #tpu.memory_space<vmem_shared>>
      tpu.enqueue_indirect_dma source(%dma_start3A_250 : memref<128x64xf32, #tpu.memory_space<vmem>>) target(%dma_start3A_256 : memref<10064x64xf32, #tpu.memory_space<vmem_shared>>) offsets(%dma_start3A_253 : memref<128xi32, #tpu.memory_space<vmem>>) semaphore(%arg16 : memref<!tpu.dma_semaphore, #tpu.memory_space<semaphore_mem>>) {add = true}
      %sub3A_257 = arith.constant 2 : i32
      %sub3A_258 = arith.subi %add3A_230, %sub3A_257 : i32
      %ge3A_259 = arith.constant 0 : i32
      %ge3A_260 = arith.cmpi sge, %sub3A_258, %ge3A_259 : i32
      %convert_element_type3A_261 = arith.extui %ge3A_260 : i1 to i32
      %cond3A_262 = arith.constant 0 : i32
      %cond3A_263 = arith.cmpi ne, %convert_element_type3A_261, %cond3A_262 : i32
      scf.if %cond3A_263 {
        %dma_wait3A_359 = arith.constant 3 : i32
        %dma_wait3A_360 = arith.constant 0 : i32
        %dma_wait3A_361 = arith.constant 0 : i32
        %dma_wait3A_362 = tpu.memref_slice %arg8[%dma_wait3A_359, %dma_wait3A_360, %dma_wait3A_361] : memref<4x128x64xf32, #tpu.memory_space<vmem>> -> memref<1x128x64xf32, #tpu.memory_space<vmem>>
        %dma_wait3A_363 = tpu.memref_squeeze %dma_wait3A_362 : memref<1x128x64xf32, #tpu.memory_space<vmem>> -> memref<128x64xf32, #tpu.memory_space<vmem>>
        %dma_wait3A_364 = arith.constant 0 : i32
        %dma_wait3A_365 = tpu.memref_slice %arg7[%sub3A_258, %dma_wait3A_364] : memref<162x128xi32, #tpu.memory_space<vmem>> -> memref<1x128xi32, #tpu.memory_space<vmem>>
        %dma_wait3A_366 = tpu.memref_squeeze %dma_wait3A_365 : memref<1x128xi32, #tpu.memory_space<vmem>> -> memref<128xi32, #tpu.memory_space<vmem>>
        %dma_wait3A_367 = arith.constant 0 : i32
        %dma_wait3A_368 = arith.constant 0 : i32
        %dma_wait3A_369 = tpu.memref_slice %arg10[%dma_wait3A_367, %dma_wait3A_368] : memref<10064x64xf32, #tpu.memory_space<vmem_shared>> -> memref<10064x64xf32, #tpu.memory_space<vmem_shared>>
        tpu.wait_indirect_dma semaphore(%arg18 : memref<!tpu.dma_semaphore, #tpu.memory_space<semaphore_mem>>) src(%dma_wait3A_363 : memref<128x64xf32, #tpu.memory_space<vmem>>) dst(%dma_wait3A_369 : memref<10064x64xf32, #tpu.memory_space<vmem_shared>>)
      } else {
      }
      %add3A_264 = arith.constant 2 : i32
      %add3A_265 = arith.addi %add3A_230, %add3A_264 : i32
      %lt3A_266 = arith.constant 162 : i32
      %lt3A_267 = arith.cmpi slt, %add3A_265, %lt3A_266 : i32
      %convert_element_type3A_268 = arith.extui %lt3A_267 : i1 to i32
      %cond3A_269 = arith.constant 0 : i32
      %cond3A_270 = arith.cmpi ne, %convert_element_type3A_268, %cond3A_269 : i32
      scf.if %cond3A_270 {
        %dma_start3A_359 = arith.constant 3 : i32
        %dma_start3A_360 = arith.constant 0 : i32
        %dma_start3A_361 = arith.constant 0 : i32
        %dma_start3A_362 = tpu.memref_slice %arg8[%dma_start3A_359, %dma_start3A_360, %dma_start3A_361] : memref<4x128x64xf32, #tpu.memory_space<vmem>> -> memref<1x128x64xf32, #tpu.memory_space<vmem>>
        %dma_start3A_363 = tpu.memref_squeeze %dma_start3A_362 : memref<1x128x64xf32, #tpu.memory_space<vmem>> -> memref<128x64xf32, #tpu.memory_space<vmem>>
        %dma_start3A_364 = arith.constant 0 : i32
        %dma_start3A_365 = tpu.memref_slice %arg6[%add3A_265, %dma_start3A_364] : memref<162x128xi32, #tpu.memory_space<vmem>> -> memref<1x128xi32, #tpu.memory_space<vmem>>
        %dma_start3A_366 = tpu.memref_squeeze %dma_start3A_365 : memref<1x128xi32, #tpu.memory_space<vmem>> -> memref<128xi32, #tpu.memory_space<vmem>>
        %dma_start3A_367 = arith.constant 0 : i32
        %dma_start3A_368 = arith.constant 0 : i32
        %dma_start3A_369 = tpu.memref_slice %arg2[%arg0, %dma_start3A_367, %dma_start3A_368] : memref<2x10000x64xf32, #tpu.memory_space<hbm>> -> memref<1x10000x64xf32, #tpu.memory_space<hbm>>
        %dma_start3A_370 = tpu.memref_squeeze %dma_start3A_369 : memref<1x10000x64xf32, #tpu.memory_space<hbm>> -> memref<10000x64xf32, #tpu.memory_space<hbm>>
        %dma_start3A_371 = arith.constant 0 : i32
        %dma_start3A_372 = arith.constant 0 : i32
        %dma_start3A_373 = tpu.memref_slice %dma_start3A_370[%dma_start3A_371, %dma_start3A_372] : memref<10000x64xf32, #tpu.memory_space<hbm>> -> memref<10000x64xf32, #tpu.memory_space<hbm>>
        tpu.enqueue_indirect_dma source(%dma_start3A_373 : memref<10000x64xf32, #tpu.memory_space<hbm>>) target(%dma_start3A_363 : memref<128x64xf32, #tpu.memory_space<vmem>>) offsets(%dma_start3A_366 : memref<128xi32, #tpu.memory_space<vmem>>) semaphore(%arg14 : memref<!tpu.dma_semaphore, #tpu.memory_space<semaphore_mem>>)
      } else {
      }
      %mul3A_271 = arith.constant 4 : i32
      %mul3A_272 = arith.muli %scan3A_186, %mul3A_271 : i32
      %add3A_273 = arith.constant 2 : i32
      %add3A_274 = arith.addi %mul3A_272, %add3A_273 : i32
      %dma_wait3A_275 = arith.constant 2 : i32
      %dma_wait3A_276 = arith.constant 0 : i32
      %dma_wait3A_277 = arith.constant 0 : i32
      %dma_wait3A_278 = tpu.memref_slice %arg8[%dma_wait3A_275, %dma_wait3A_276, %dma_wait3A_277] : memref<4x128x64xf32, #tpu.memory_space<vmem>> -> memref<1x128x64xf32, #tpu.memory_space<vmem>>
      %dma_wait3A_279 = tpu.memref_squeeze %dma_wait3A_278 : memref<1x128x64xf32, #tpu.memory_space<vmem>> -> memref<128x64xf32, #tpu.memory_space<vmem>>
      %dma_wait3A_280 = arith.constant 0 : i32
      %dma_wait3A_281 = tpu.memref_slice %arg6[%add3A_274, %dma_wait3A_280] : memref<162x128xi32, #tpu.memory_space<vmem>> -> memref<1x128xi32, #tpu.memory_space<vmem>>
      %dma_wait3A_282 = tpu.memref_squeeze %dma_wait3A_281 : memref<1x128xi32, #tpu.memory_space<vmem>> -> memref<128xi32, #tpu.memory_space<vmem>>
      %dma_wait3A_283 = arith.constant 0 : i32
      %dma_wait3A_284 = arith.constant 0 : i32
      %dma_wait3A_285 = tpu.memref_slice %arg2[%arg0, %dma_wait3A_283, %dma_wait3A_284] : memref<2x10000x64xf32, #tpu.memory_space<hbm>> -> memref<1x10000x64xf32, #tpu.memory_space<hbm>>
      %dma_wait3A_286 = tpu.memref_squeeze %dma_wait3A_285 : memref<1x10000x64xf32, #tpu.memory_space<hbm>> -> memref<10000x64xf32, #tpu.memory_space<hbm>>
      %dma_wait3A_287 = arith.constant 0 : i32
      %dma_wait3A_288 = arith.constant 0 : i32
      %dma_wait3A_289 = tpu.memref_slice %dma_wait3A_286[%dma_wait3A_287, %dma_wait3A_288] : memref<10000x64xf32, #tpu.memory_space<hbm>> -> memref<10000x64xf32, #tpu.memory_space<hbm>>
      tpu.wait_indirect_dma semaphore(%arg13 : memref<!tpu.dma_semaphore, #tpu.memory_space<semaphore_mem>>) src(%dma_wait3A_289 : memref<10000x64xf32, #tpu.memory_space<hbm>>) dst(%dma_wait3A_279 : memref<128x64xf32, #tpu.memory_space<vmem>>)
      %dma_start3A_290 = arith.constant 2 : i32
      %dma_start3A_291 = arith.constant 0 : i32
      %dma_start3A_292 = arith.constant 0 : i32
      %dma_start3A_293 = tpu.memref_slice %arg8[%dma_start3A_290, %dma_start3A_291, %dma_start3A_292] : memref<4x128x64xf32, #tpu.memory_space<vmem>> -> memref<1x128x64xf32, #tpu.memory_space<vmem>>
      %dma_start3A_294 = tpu.memref_squeeze %dma_start3A_293 : memref<1x128x64xf32, #tpu.memory_space<vmem>> -> memref<128x64xf32, #tpu.memory_space<vmem>>
      %dma_start3A_295 = arith.constant 0 : i32
      %dma_start3A_296 = tpu.memref_slice %arg7[%add3A_274, %dma_start3A_295] : memref<162x128xi32, #tpu.memory_space<vmem>> -> memref<1x128xi32, #tpu.memory_space<vmem>>
      %dma_start3A_297 = tpu.memref_squeeze %dma_start3A_296 : memref<1x128xi32, #tpu.memory_space<vmem>> -> memref<128xi32, #tpu.memory_space<vmem>>
      %dma_start3A_298 = arith.constant 0 : i32
      %dma_start3A_299 = arith.constant 0 : i32
      %dma_start3A_300 = tpu.memref_slice %arg10[%dma_start3A_298, %dma_start3A_299] : memref<10064x64xf32, #tpu.memory_space<vmem_shared>> -> memref<10064x64xf32, #tpu.memory_space<vmem_shared>>
      tpu.enqueue_indirect_dma source(%dma_start3A_294 : memref<128x64xf32, #tpu.memory_space<vmem>>) target(%dma_start3A_300 : memref<10064x64xf32, #tpu.memory_space<vmem_shared>>) offsets(%dma_start3A_297 : memref<128xi32, #tpu.memory_space<vmem>>) semaphore(%arg17 : memref<!tpu.dma_semaphore, #tpu.memory_space<semaphore_mem>>) {add = true}
      %sub3A_301 = arith.constant 2 : i32
      %sub3A_302 = arith.subi %add3A_274, %sub3A_301 : i32
      %ge3A_303 = arith.constant 0 : i32
      %ge3A_304 = arith.cmpi sge, %sub3A_302, %ge3A_303 : i32
      %convert_element_type3A_305 = arith.extui %ge3A_304 : i1 to i32
      %cond3A_306 = arith.constant 0 : i32
      %cond3A_307 = arith.cmpi ne, %convert_element_type3A_305, %cond3A_306 : i32
      scf.if %cond3A_307 {
        %dma_wait3A_359 = arith.constant 0 : i32
        %dma_wait3A_360 = arith.constant 0 : i32
        %dma_wait3A_361 = arith.constant 0 : i32
        %dma_wait3A_362 = tpu.memref_slice %arg8[%dma_wait3A_359, %dma_wait3A_360, %dma_wait3A_361] : memref<4x128x64xf32, #tpu.memory_space<vmem>> -> memref<1x128x64xf32, #tpu.memory_space<vmem>>
        %dma_wait3A_363 = tpu.memref_squeeze %dma_wait3A_362 : memref<1x128x64xf32, #tpu.memory_space<vmem>> -> memref<128x64xf32, #tpu.memory_space<vmem>>
        %dma_wait3A_364 = arith.constant 0 : i32
        %dma_wait3A_365 = tpu.memref_slice %arg7[%sub3A_302, %dma_wait3A_364] : memref<162x128xi32, #tpu.memory_space<vmem>> -> memref<1x128xi32, #tpu.memory_space<vmem>>
        %dma_wait3A_366 = tpu.memref_squeeze %dma_wait3A_365 : memref<1x128xi32, #tpu.memory_space<vmem>> -> memref<128xi32, #tpu.memory_space<vmem>>
        %dma_wait3A_367 = arith.constant 0 : i32
        %dma_wait3A_368 = arith.constant 0 : i32
        %dma_wait3A_369 = tpu.memref_slice %arg10[%dma_wait3A_367, %dma_wait3A_368] : memref<10064x64xf32, #tpu.memory_space<vmem_shared>> -> memref<10064x64xf32, #tpu.memory_space<vmem_shared>>
        tpu.wait_indirect_dma semaphore(%arg15 : memref<!tpu.dma_semaphore, #tpu.memory_space<semaphore_mem>>) src(%dma_wait3A_363 : memref<128x64xf32, #tpu.memory_space<vmem>>) dst(%dma_wait3A_369 : memref<10064x64xf32, #tpu.memory_space<vmem_shared>>)
      } else {
      }
      %add3A_308 = arith.constant 2 : i32
      %add3A_309 = arith.addi %add3A_274, %add3A_308 : i32
      %lt3A_310 = arith.constant 162 : i32
      %lt3A_311 = arith.cmpi slt, %add3A_309, %lt3A_310 : i32
      %convert_element_type3A_312 = arith.extui %lt3A_311 : i1 to i32
      %cond3A_313 = arith.constant 0 : i32
      %cond3A_314 = arith.cmpi ne, %convert_element_type3A_312, %cond3A_313 : i32
      scf.if %cond3A_314 {
        %dma_start3A_359 = arith.constant 0 : i32
        %dma_start3A_360 = arith.constant 0 : i32
        %dma_start3A_361 = arith.constant 0 : i32
        %dma_start3A_362 = tpu.memref_slice %arg8[%dma_start3A_359, %dma_start3A_360, %dma_start3A_361] : memref<4x128x64xf32, #tpu.memory_space<vmem>> -> memref<1x128x64xf32, #tpu.memory_space<vmem>>
        %dma_start3A_363 = tpu.memref_squeeze %dma_start3A_362 : memref<1x128x64xf32, #tpu.memory_space<vmem>> -> memref<128x64xf32, #tpu.memory_space<vmem>>
        %dma_start3A_364 = arith.constant 0 : i32
        %dma_start3A_365 = tpu.memref_slice %arg6[%add3A_309, %dma_start3A_364] : memref<162x128xi32, #tpu.memory_space<vmem>> -> memref<1x128xi32, #tpu.memory_space<vmem>>
        %dma_start3A_366 = tpu.memref_squeeze %dma_start3A_365 : memref<1x128xi32, #tpu.memory_space<vmem>> -> memref<128xi32, #tpu.memory_space<vmem>>
        %dma_start3A_367 = arith.constant 0 : i32
        %dma_start3A_368 = arith.constant 0 : i32
        %dma_start3A_369 = tpu.memref_slice %arg2[%arg0, %dma_start3A_367, %dma_start3A_368] : memref<2x10000x64xf32, #tpu.memory_space<hbm>> -> memref<1x10000x64xf32, #tpu.memory_space<hbm>>
        %dma_start3A_370 = tpu.memref_squeeze %dma_start3A_369 : memref<1x10000x64xf32, #tpu.memory_space<hbm>> -> memref<10000x64xf32, #tpu.memory_space<hbm>>
        %dma_start3A_371 = arith.constant 0 : i32
        %dma_start3A_372 = arith.constant 0 : i32
        %dma_start3A_373 = tpu.memref_slice %dma_start3A_370[%dma_start3A_371, %dma_start3A_372] : memref<10000x64xf32, #tpu.memory_space<hbm>> -> memref<10000x64xf32, #tpu.memory_space<hbm>>
        tpu.enqueue_indirect_dma source(%dma_start3A_373 : memref<10000x64xf32, #tpu.memory_space<hbm>>) target(%dma_start3A_363 : memref<128x64xf32, #tpu.memory_space<vmem>>) offsets(%dma_start3A_366 : memref<128xi32, #tpu.memory_space<vmem>>) semaphore(%arg11 : memref<!tpu.dma_semaphore, #tpu.memory_space<semaphore_mem>>)
      } else {
      }
      %mul3A_315 = arith.constant 4 : i32
      %mul3A_316 = arith.muli %scan3A_186, %mul3A_315 : i32
      %add3A_317 = arith.constant 3 : i32
      %add3A_318 = arith.addi %mul3A_316, %add3A_317 : i32
      %dma_wait3A_319 = arith.constant 3 : i32
      %dma_wait3A_320 = arith.constant 0 : i32
      %dma_wait3A_321 = arith.constant 0 : i32
      %dma_wait3A_322 = tpu.memref_slice %arg8[%dma_wait3A_319, %dma_wait3A_320, %dma_wait3A_321] : memref<4x128x64xf32, #tpu.memory_space<vmem>> -> memref<1x128x64xf32, #tpu.memory_space<vmem>>
      %dma_wait3A_323 = tpu.memref_squeeze %dma_wait3A_322 : memref<1x128x64xf32, #tpu.memory_space<vmem>> -> memref<128x64xf32, #tpu.memory_space<vmem>>
      %dma_wait3A_324 = arith.constant 0 : i32
      %dma_wait3A_325 = tpu.memref_slice %arg6[%add3A_318, %dma_wait3A_324] : memref<162x128xi32, #tpu.memory_space<vmem>> -> memref<1x128xi32, #tpu.memory_space<vmem>>
      %dma_wait3A_326 = tpu.memref_squeeze %dma_wait3A_325 : memref<1x128xi32, #tpu.memory_space<vmem>> -> memref<128xi32, #tpu.memory_space<vmem>>
      %dma_wait3A_327 = arith.constant 0 : i32
      %dma_wait3A_328 = arith.constant 0 : i32
      %dma_wait3A_329 = tpu.memref_slice %arg2[%arg0, %dma_wait3A_327, %dma_wait3A_328] : memref<2x10000x64xf32, #tpu.memory_space<hbm>> -> memref<1x10000x64xf32, #tpu.memory_space<hbm>>
      %dma_wait3A_330 = tpu.memref_squeeze %dma_wait3A_329 : memref<1x10000x64xf32, #tpu.memory_space<hbm>> -> memref<10000x64xf32, #tpu.memory_space<hbm>>
      %dma_wait3A_331 = arith.constant 0 : i32
      %dma_wait3A_332 = arith.constant 0 : i32
      %dma_wait3A_333 = tpu.memref_slice %dma_wait3A_330[%dma_wait3A_331, %dma_wait3A_332] : memref<10000x64xf32, #tpu.memory_space<hbm>> -> memref<10000x64xf32, #tpu.memory_space<hbm>>
      tpu.wait_indirect_dma semaphore(%arg14 : memref<!tpu.dma_semaphore, #tpu.memory_space<semaphore_mem>>) src(%dma_wait3A_333 : memref<10000x64xf32, #tpu.memory_space<hbm>>) dst(%dma_wait3A_323 : memref<128x64xf32, #tpu.memory_space<vmem>>)
      %dma_start3A_334 = arith.constant 3 : i32
      %dma_start3A_335 = arith.constant 0 : i32
      %dma_start3A_336 = arith.constant 0 : i32
      %dma_start3A_337 = tpu.memref_slice %arg8[%dma_start3A_334, %dma_start3A_335, %dma_start3A_336] : memref<4x128x64xf32, #tpu.memory_space<vmem>> -> memref<1x128x64xf32, #tpu.memory_space<vmem>>
      %dma_start3A_338 = tpu.memref_squeeze %dma_start3A_337 : memref<1x128x64xf32, #tpu.memory_space<vmem>> -> memref<128x64xf32, #tpu.memory_space<vmem>>
      %dma_start3A_339 = arith.constant 0 : i32
      %dma_start3A_340 = tpu.memref_slice %arg7[%add3A_318, %dma_start3A_339] : memref<162x128xi32, #tpu.memory_space<vmem>> -> memref<1x128xi32, #tpu.memory_space<vmem>>
      %dma_start3A_341 = tpu.memref_squeeze %dma_start3A_340 : memref<1x128xi32, #tpu.memory_space<vmem>> -> memref<128xi32, #tpu.memory_space<vmem>>
      %dma_start3A_342 = arith.constant 0 : i32
      %dma_start3A_343 = arith.constant 0 : i32
      %dma_start3A_344 = tpu.memref_slice %arg10[%dma_start3A_342, %dma_start3A_343] : memref<10064x64xf32, #tpu.memory_space<vmem_shared>> -> memref<10064x64xf32, #tpu.memory_space<vmem_shared>>
      tpu.enqueue_indirect_dma source(%dma_start3A_338 : memref<128x64xf32, #tpu.memory_space<vmem>>) target(%dma_start3A_344 : memref<10064x64xf32, #tpu.memory_space<vmem_shared>>) offsets(%dma_start3A_341 : memref<128xi32, #tpu.memory_space<vmem>>) semaphore(%arg18 : memref<!tpu.dma_semaphore, #tpu.memory_space<semaphore_mem>>) {add = true}
      %sub3A_345 = arith.constant 2 : i32
      %sub3A_346 = arith.subi %add3A_318, %sub3A_345 : i32
      %ge3A_347 = arith.constant 0 : i32
      %ge3A_348 = arith.cmpi sge, %sub3A_346, %ge3A_347 : i32
      %convert_element_type3A_349 = arith.extui %ge3A_348 : i1 to i32
      %cond3A_350 = arith.constant 0 : i32
      %cond3A_351 = arith.cmpi ne, %convert_element_type3A_349, %cond3A_350 : i32
      scf.if %cond3A_351 {
        %dma_wait3A_359 = arith.constant 1 : i32
        %dma_wait3A_360 = arith.constant 0 : i32
        %dma_wait3A_361 = arith.constant 0 : i32
        %dma_wait3A_362 = tpu.memref_slice %arg8[%dma_wait3A_359, %dma_wait3A_360, %dma_wait3A_361] : memref<4x128x64xf32, #tpu.memory_space<vmem>> -> memref<1x128x64xf32, #tpu.memory_space<vmem>>
        %dma_wait3A_363 = tpu.memref_squeeze %dma_wait3A_362 : memref<1x128x64xf32, #tpu.memory_space<vmem>> -> memref<128x64xf32, #tpu.memory_space<vmem>>
        %dma_wait3A_364 = arith.constant 0 : i32
        %dma_wait3A_365 = tpu.memref_slice %arg7[%sub3A_346, %dma_wait3A_364] : memref<162x128xi32, #tpu.memory_space<vmem>> -> memref<1x128xi32, #tpu.memory_space<vmem>>
        %dma_wait3A_366 = tpu.memref_squeeze %dma_wait3A_365 : memref<1x128xi32, #tpu.memory_space<vmem>> -> memref<128xi32, #tpu.memory_space<vmem>>
        %dma_wait3A_367 = arith.constant 0 : i32
        %dma_wait3A_368 = arith.constant 0 : i32
        %dma_wait3A_369 = tpu.memref_slice %arg10[%dma_wait3A_367, %dma_wait3A_368] : memref<10064x64xf32, #tpu.memory_space<vmem_shared>> -> memref<10064x64xf32, #tpu.memory_space<vmem_shared>>
        tpu.wait_indirect_dma semaphore(%arg16 : memref<!tpu.dma_semaphore, #tpu.memory_space<semaphore_mem>>) src(%dma_wait3A_363 : memref<128x64xf32, #tpu.memory_space<vmem>>) dst(%dma_wait3A_369 : memref<10064x64xf32, #tpu.memory_space<vmem_shared>>)
      } else {
      }
      %add3A_352 = arith.constant 2 : i32
      %add3A_353 = arith.addi %add3A_318, %add3A_352 : i32
      %lt3A_354 = arith.constant 162 : i32
      %lt3A_355 = arith.cmpi slt, %add3A_353, %lt3A_354 : i32
      %convert_element_type3A_356 = arith.extui %lt3A_355 : i1 to i32
      %cond3A_357 = arith.constant 0 : i32
      %cond3A_358 = arith.cmpi ne, %convert_element_type3A_356, %cond3A_357 : i32
      scf.if %cond3A_358 {
        %dma_start3A_359 = arith.constant 1 : i32
        %dma_start3A_360 = arith.constant 0 : i32
        %dma_start3A_361 = arith.constant 0 : i32
        %dma_start3A_362 = tpu.memref_slice %arg8[%dma_start3A_359, %dma_start3A_360, %dma_start3A_361] : memref<4x128x64xf32, #tpu.memory_space<vmem>> -> memref<1x128x64xf32, #tpu.memory_space<vmem>>
        %dma_start3A_363 = tpu.memref_squeeze %dma_start3A_362 : memref<1x128x64xf32, #tpu.memory_space<vmem>> -> memref<128x64xf32, #tpu.memory_space<vmem>>
        %dma_start3A_364 = arith.constant 0 : i32
        %dma_start3A_365 = tpu.memref_slice %arg6[%add3A_353, %dma_start3A_364] : memref<162x128xi32, #tpu.memory_space<vmem>> -> memref<1x128xi32, #tpu.memory_space<vmem>>
        %dma_start3A_366 = tpu.memref_squeeze %dma_start3A_365 : memref<1x128xi32, #tpu.memory_space<vmem>> -> memref<128xi32, #tpu.memory_space<vmem>>
        %dma_start3A_367 = arith.constant 0 : i32
        %dma_start3A_368 = arith.constant 0 : i32
        %dma_start3A_369 = tpu.memref_slice %arg2[%arg0, %dma_start3A_367, %dma_start3A_368] : memref<2x10000x64xf32, #tpu.memory_space<hbm>> -> memref<1x10000x64xf32, #tpu.memory_space<hbm>>
        %dma_start3A_370 = tpu.memref_squeeze %dma_start3A_369 : memref<1x10000x64xf32, #tpu.memory_space<hbm>> -> memref<10000x64xf32, #tpu.memory_space<hbm>>
        %dma_start3A_371 = arith.constant 0 : i32
        %dma_start3A_372 = arith.constant 0 : i32
        %dma_start3A_373 = tpu.memref_slice %dma_start3A_370[%dma_start3A_371, %dma_start3A_372] : memref<10000x64xf32, #tpu.memory_space<hbm>> -> memref<10000x64xf32, #tpu.memory_space<hbm>>
        tpu.enqueue_indirect_dma source(%dma_start3A_373 : memref<10000x64xf32, #tpu.memory_space<hbm>>) target(%dma_start3A_363 : memref<128x64xf32, #tpu.memory_space<vmem>>) offsets(%dma_start3A_366 : memref<128xi32, #tpu.memory_space<vmem>>) semaphore(%arg12 : memref<!tpu.dma_semaphore, #tpu.memory_space<semaphore_mem>>)
      } else {
      }
    }
    %scan3A_75 = arith.constant 40 : i32
    %dma_wait3A_76 = arith.constant 160 : i32
    %dma_wait3A_77 = arith.constant 0 : i32
    %dma_wait3A_78 = arith.constant 0 : i32
    %dma_wait3A_79 = arith.constant 0 : i32
    %dma_wait3A_80 = tpu.memref_slice %arg8[%dma_wait3A_77, %dma_wait3A_78, %dma_wait3A_79] : memref<4x128x64xf32, #tpu.memory_space<vmem>> -> memref<1x128x64xf32, #tpu.memory_space<vmem>>
    %dma_wait3A_81 = tpu.memref_squeeze %dma_wait3A_80 : memref<1x128x64xf32, #tpu.memory_space<vmem>> -> memref<128x64xf32, #tpu.memory_space<vmem>>
    %dma_wait3A_82 = arith.constant 0 : i32
    %dma_wait3A_83 = tpu.memref_slice %arg6[%dma_wait3A_76, %dma_wait3A_82] : memref<162x128xi32, #tpu.memory_space<vmem>> -> memref<1x128xi32, #tpu.memory_space<vmem>>
    %dma_wait3A_84 = tpu.memref_squeeze %dma_wait3A_83 : memref<1x128xi32, #tpu.memory_space<vmem>> -> memref<128xi32, #tpu.memory_space<vmem>>
    %dma_wait3A_85 = arith.constant 0 : i32
    %dma_wait3A_86 = arith.constant 0 : i32
    %dma_wait3A_87 = tpu.memref_slice %arg2[%arg0, %dma_wait3A_85, %dma_wait3A_86] : memref<2x10000x64xf32, #tpu.memory_space<hbm>> -> memref<1x10000x64xf32, #tpu.memory_space<hbm>>
    %dma_wait3A_88 = tpu.memref_squeeze %dma_wait3A_87 : memref<1x10000x64xf32, #tpu.memory_space<hbm>> -> memref<10000x64xf32, #tpu.memory_space<hbm>>
    %dma_wait3A_89 = arith.constant 0 : i32
    %dma_wait3A_90 = arith.constant 0 : i32
    %dma_wait3A_91 = tpu.memref_slice %dma_wait3A_88[%dma_wait3A_89, %dma_wait3A_90] : memref<10000x64xf32, #tpu.memory_space<hbm>> -> memref<10000x64xf32, #tpu.memory_space<hbm>>
    tpu.wait_indirect_dma semaphore(%arg11 : memref<!tpu.dma_semaphore, #tpu.memory_space<semaphore_mem>>) src(%dma_wait3A_91 : memref<10000x64xf32, #tpu.memory_space<hbm>>) dst(%dma_wait3A_81 : memref<128x64xf32, #tpu.memory_space<vmem>>)
    %dma_start3A_92 = arith.constant 0 : i32
    %dma_start3A_93 = arith.constant 160 : i32
    %dma_start3A_94 = arith.constant 0 : i32
    %dma_start3A_95 = arith.constant 0 : i32
    %dma_start3A_96 = tpu.memref_slice %arg8[%dma_start3A_92, %dma_start3A_94, %dma_start3A_95] : memref<4x128x64xf32, #tpu.memory_space<vmem>> -> memref<1x128x64xf32, #tpu.memory_space<vmem>>
    %dma_start3A_97 = tpu.memref_squeeze %dma_start3A_96 : memref<1x128x64xf32, #tpu.memory_space<vmem>> -> memref<128x64xf32, #tpu.memory_space<vmem>>
    %dma_start3A_98 = arith.constant 0 : i32
    %dma_start3A_99 = tpu.memref_slice %arg7[%dma_start3A_93, %dma_start3A_98] : memref<162x128xi32, #tpu.memory_space<vmem>> -> memref<1x128xi32, #tpu.memory_space<vmem>>
    %dma_start3A_100 = tpu.memref_squeeze %dma_start3A_99 : memref<1x128xi32, #tpu.memory_space<vmem>> -> memref<128xi32, #tpu.memory_space<vmem>>
    %dma_start3A_101 = arith.constant 0 : i32
    %dma_start3A_102 = arith.constant 0 : i32
    %dma_start3A_103 = tpu.memref_slice %arg10[%dma_start3A_101, %dma_start3A_102] : memref<10064x64xf32, #tpu.memory_space<vmem_shared>> -> memref<10064x64xf32, #tpu.memory_space<vmem_shared>>
    tpu.enqueue_indirect_dma source(%dma_start3A_97 : memref<128x64xf32, #tpu.memory_space<vmem>>) target(%dma_start3A_103 : memref<10064x64xf32, #tpu.memory_space<vmem_shared>>) offsets(%dma_start3A_100 : memref<128xi32, #tpu.memory_space<vmem>>) semaphore(%arg15 : memref<!tpu.dma_semaphore, #tpu.memory_space<semaphore_mem>>) {add = true}
    %dma_wait3A_104 = arith.constant 2 : i32
    %dma_wait3A_105 = arith.constant 158 : i32
    %dma_wait3A_106 = arith.constant 0 : i32
    %dma_wait3A_107 = arith.constant 0 : i32
    %dma_wait3A_108 = tpu.memref_slice %arg8[%dma_wait3A_104, %dma_wait3A_106, %dma_wait3A_107] : memref<4x128x64xf32, #tpu.memory_space<vmem>> -> memref<1x128x64xf32, #tpu.memory_space<vmem>>
    %dma_wait3A_109 = tpu.memref_squeeze %dma_wait3A_108 : memref<1x128x64xf32, #tpu.memory_space<vmem>> -> memref<128x64xf32, #tpu.memory_space<vmem>>
    %dma_wait3A_110 = arith.constant 0 : i32
    %dma_wait3A_111 = tpu.memref_slice %arg7[%dma_wait3A_105, %dma_wait3A_110] : memref<162x128xi32, #tpu.memory_space<vmem>> -> memref<1x128xi32, #tpu.memory_space<vmem>>
    %dma_wait3A_112 = tpu.memref_squeeze %dma_wait3A_111 : memref<1x128xi32, #tpu.memory_space<vmem>> -> memref<128xi32, #tpu.memory_space<vmem>>
    %dma_wait3A_113 = arith.constant 0 : i32
    %dma_wait3A_114 = arith.constant 0 : i32
    %dma_wait3A_115 = tpu.memref_slice %arg10[%dma_wait3A_113, %dma_wait3A_114] : memref<10064x64xf32, #tpu.memory_space<vmem_shared>> -> memref<10064x64xf32, #tpu.memory_space<vmem_shared>>
    tpu.wait_indirect_dma semaphore(%arg17 : memref<!tpu.dma_semaphore, #tpu.memory_space<semaphore_mem>>) src(%dma_wait3A_109 : memref<128x64xf32, #tpu.memory_space<vmem>>) dst(%dma_wait3A_115 : memref<10064x64xf32, #tpu.memory_space<vmem_shared>>)
    %dma_wait3A_116 = arith.constant 161 : i32
    %dma_wait3A_117 = arith.constant 1 : i32
    %dma_wait3A_118 = arith.constant 0 : i32
    %dma_wait3A_119 = arith.constant 0 : i32
    %dma_wait3A_120 = tpu.memref_slice %arg8[%dma_wait3A_117, %dma_wait3A_118, %dma_wait3A_119] : memref<4x128x64xf32, #tpu.memory_space<vmem>> -> memref<1x128x64xf32, #tpu.memory_space<vmem>>
    %dma_wait3A_121 = tpu.memref_squeeze %dma_wait3A_120 : memref<1x128x64xf32, #tpu.memory_space<vmem>> -> memref<128x64xf32, #tpu.memory_space<vmem>>
    %dma_wait3A_122 = arith.constant 0 : i32
    %dma_wait3A_123 = tpu.memref_slice %arg6[%dma_wait3A_116, %dma_wait3A_122] : memref<162x128xi32, #tpu.memory_space<vmem>> -> memref<1x128xi32, #tpu.memory_space<vmem>>
    %dma_wait3A_124 = tpu.memref_squeeze %dma_wait3A_123 : memref<1x128xi32, #tpu.memory_space<vmem>> -> memref<128xi32, #tpu.memory_space<vmem>>
    %dma_wait3A_125 = arith.constant 0 : i32
    %dma_wait3A_126 = arith.constant 0 : i32
    %dma_wait3A_127 = tpu.memref_slice %arg2[%arg0, %dma_wait3A_125, %dma_wait3A_126] : memref<2x10000x64xf32, #tpu.memory_space<hbm>> -> memref<1x10000x64xf32, #tpu.memory_space<hbm>>
    %dma_wait3A_128 = tpu.memref_squeeze %dma_wait3A_127 : memref<1x10000x64xf32, #tpu.memory_space<hbm>> -> memref<10000x64xf32, #tpu.memory_space<hbm>>
    %dma_wait3A_129 = arith.constant 0 : i32
    %dma_wait3A_130 = arith.constant 0 : i32
    %dma_wait3A_131 = tpu.memref_slice %dma_wait3A_128[%dma_wait3A_129, %dma_wait3A_130] : memref<10000x64xf32, #tpu.memory_space<hbm>> -> memref<10000x64xf32, #tpu.memory_space<hbm>>
    tpu.wait_indirect_dma semaphore(%arg12 : memref<!tpu.dma_semaphore, #tpu.memory_space<semaphore_mem>>) src(%dma_wait3A_131 : memref<10000x64xf32, #tpu.memory_space<hbm>>) dst(%dma_wait3A_121 : memref<128x64xf32, #tpu.memory_space<vmem>>)
    %dma_start3A_132 = arith.constant 1 : i32
    %dma_start3A_133 = arith.constant 161 : i32
    %dma_start3A_134 = arith.constant 0 : i32
    %dma_start3A_135 = arith.constant 0 : i32
    %dma_start3A_136 = tpu.memref_slice %arg8[%dma_start3A_132, %dma_start3A_134, %dma_start3A_135] : memref<4x128x64xf32, #tpu.memory_space<vmem>> -> memref<1x128x64xf32, #tpu.memory_space<vmem>>
    %dma_start3A_137 = tpu.memref_squeeze %dma_start3A_136 : memref<1x128x64xf32, #tpu.memory_space<vmem>> -> memref<128x64xf32, #tpu.memory_space<vmem>>
    %dma_start3A_138 = arith.constant 0 : i32
    %dma_start3A_139 = tpu.memref_slice %arg7[%dma_start3A_133, %dma_start3A_138] : memref<162x128xi32, #tpu.memory_space<vmem>> -> memref<1x128xi32, #tpu.memory_space<vmem>>
    %dma_start3A_140 = tpu.memref_squeeze %dma_start3A_139 : memref<1x128xi32, #tpu.memory_space<vmem>> -> memref<128xi32, #tpu.memory_space<vmem>>
    %dma_start3A_141 = arith.constant 0 : i32
    %dma_start3A_142 = arith.constant 0 : i32
    %dma_start3A_143 = tpu.memref_slice %arg10[%dma_start3A_141, %dma_start3A_142] : memref<10064x64xf32, #tpu.memory_space<vmem_shared>> -> memref<10064x64xf32, #tpu.memory_space<vmem_shared>>
    tpu.enqueue_indirect_dma source(%dma_start3A_137 : memref<128x64xf32, #tpu.memory_space<vmem>>) target(%dma_start3A_143 : memref<10064x64xf32, #tpu.memory_space<vmem_shared>>) offsets(%dma_start3A_140 : memref<128xi32, #tpu.memory_space<vmem>>) semaphore(%arg16 : memref<!tpu.dma_semaphore, #tpu.memory_space<semaphore_mem>>) {add = true}
    %dma_wait3A_144 = arith.constant 3 : i32
    %dma_wait3A_145 = arith.constant 159 : i32
    %dma_wait3A_146 = arith.constant 0 : i32
    %dma_wait3A_147 = arith.constant 0 : i32
    %dma_wait3A_148 = tpu.memref_slice %arg8[%dma_wait3A_144, %dma_wait3A_146, %dma_wait3A_147] : memref<4x128x64xf32, #tpu.memory_space<vmem>> -> memref<1x128x64xf32, #tpu.memory_space<vmem>>
    %dma_wait3A_149 = tpu.memref_squeeze %dma_wait3A_148 : memref<1x128x64xf32, #tpu.memory_space<vmem>> -> memref<128x64xf32, #tpu.memory_space<vmem>>
    %dma_wait3A_150 = arith.constant 0 : i32
    %dma_wait3A_151 = tpu.memref_slice %arg7[%dma_wait3A_145, %dma_wait3A_150] : memref<162x128xi32, #tpu.memory_space<vmem>> -> memref<1x128xi32, #tpu.memory_space<vmem>>
    %dma_wait3A_152 = tpu.memref_squeeze %dma_wait3A_151 : memref<1x128xi32, #tpu.memory_space<vmem>> -> memref<128xi32, #tpu.memory_space<vmem>>
    %dma_wait3A_153 = arith.constant 0 : i32
    %dma_wait3A_154 = arith.constant 0 : i32
    %dma_wait3A_155 = tpu.memref_slice %arg10[%dma_wait3A_153, %dma_wait3A_154] : memref<10064x64xf32, #tpu.memory_space<vmem_shared>> -> memref<10064x64xf32, #tpu.memory_space<vmem_shared>>
    tpu.wait_indirect_dma semaphore(%arg18 : memref<!tpu.dma_semaphore, #tpu.memory_space<semaphore_mem>>) src(%dma_wait3A_149 : memref<128x64xf32, #tpu.memory_space<vmem>>) dst(%dma_wait3A_155 : memref<10064x64xf32, #tpu.memory_space<vmem_shared>>)
    %dma_wait3A_156 = arith.constant 0 : i32
    %dma_wait3A_157 = arith.constant 160 : i32
    %dma_wait3A_158 = arith.constant 0 : i32
    %dma_wait3A_159 = arith.constant 0 : i32
    %dma_wait3A_160 = tpu.memref_slice %arg8[%dma_wait3A_156, %dma_wait3A_158, %dma_wait3A_159] : memref<4x128x64xf32, #tpu.memory_space<vmem>> -> memref<1x128x64xf32, #tpu.memory_space<vmem>>
    %dma_wait3A_161 = tpu.memref_squeeze %dma_wait3A_160 : memref<1x128x64xf32, #tpu.memory_space<vmem>> -> memref<128x64xf32, #tpu.memory_space<vmem>>
    %dma_wait3A_162 = arith.constant 0 : i32
    %dma_wait3A_163 = tpu.memref_slice %arg7[%dma_wait3A_157, %dma_wait3A_162] : memref<162x128xi32, #tpu.memory_space<vmem>> -> memref<1x128xi32, #tpu.memory_space<vmem>>
    %dma_wait3A_164 = tpu.memref_squeeze %dma_wait3A_163 : memref<1x128xi32, #tpu.memory_space<vmem>> -> memref<128xi32, #tpu.memory_space<vmem>>
    %dma_wait3A_165 = arith.constant 0 : i32
    %dma_wait3A_166 = arith.constant 0 : i32
    %dma_wait3A_167 = tpu.memref_slice %arg10[%dma_wait3A_165, %dma_wait3A_166] : memref<10064x64xf32, #tpu.memory_space<vmem_shared>> -> memref<10064x64xf32, #tpu.memory_space<vmem_shared>>
    tpu.wait_indirect_dma semaphore(%arg15 : memref<!tpu.dma_semaphore, #tpu.memory_space<semaphore_mem>>) src(%dma_wait3A_161 : memref<128x64xf32, #tpu.memory_space<vmem>>) dst(%dma_wait3A_167 : memref<10064x64xf32, #tpu.memory_space<vmem_shared>>)
    %dma_wait3A_168 = arith.constant 1 : i32
    %dma_wait3A_169 = arith.constant 161 : i32
    %dma_wait3A_170 = arith.constant 0 : i32
    %dma_wait3A_171 = arith.constant 0 : i32
    %dma_wait3A_172 = tpu.memref_slice %arg8[%dma_wait3A_168, %dma_wait3A_170, %dma_wait3A_171] : memref<4x128x64xf32, #tpu.memory_space<vmem>> -> memref<1x128x64xf32, #tpu.memory_space<vmem>>
    %dma_wait3A_173 = tpu.memref_squeeze %dma_wait3A_172 : memref<1x128x64xf32, #tpu.memory_space<vmem>> -> memref<128x64xf32, #tpu.memory_space<vmem>>
    %dma_wait3A_174 = arith.constant 0 : i32
    %dma_wait3A_175 = tpu.memref_slice %arg7[%dma_wait3A_169, %dma_wait3A_174] : memref<162x128xi32, #tpu.memory_space<vmem>> -> memref<1x128xi32, #tpu.memory_space<vmem>>
    %dma_wait3A_176 = tpu.memref_squeeze %dma_wait3A_175 : memref<1x128xi32, #tpu.memory_space<vmem>> -> memref<128xi32, #tpu.memory_space<vmem>>
    %dma_wait3A_177 = arith.constant 0 : i32
    %dma_wait3A_178 = arith.constant 0 : i32
    %dma_wait3A_179 = tpu.memref_slice %arg10[%dma_wait3A_177, %dma_wait3A_178] : memref<10064x64xf32, #tpu.memory_space<vmem_shared>> -> memref<10064x64xf32, #tpu.memory_space<vmem_shared>>
    tpu.wait_indirect_dma semaphore(%arg16 : memref<!tpu.dma_semaphore, #tpu.memory_space<semaphore_mem>>) src(%dma_wait3A_173 : memref<128x64xf32, #tpu.memory_space<vmem>>) dst(%dma_wait3A_179 : memref<10064x64xf32, #tpu.memory_space<vmem_shared>>)
    %barrier3A_180 = arith.constant 0 : index
    tpu.barrier barrier_id(%barrier3A_180)
    %lt3A_181 = arith.constant 10 : i32
    %lt3A_182 = arith.cmpi slt, %arg1, %lt3A_181 : i32
    %convert_element_type3A_183 = arith.extui %lt3A_182 : i1 to i32
    %cond3A_184 = arith.constant 0 : i32
    %cond3A_185 = arith.cmpi ne, %convert_element_type3A_183, %cond3A_184 : i32
    scf.if %cond3A_185 {
      %mul3A = arith.constant 1000 : i32
      %mul3A_186 = arith.muli %arg1, %mul3A : i32
      %add3A = arith.constant 0 : i32
      %add3A_187 = arith.addi %mul3A_186, %add3A : i32
      %run_scoped3A = arith.constant 0 : i32
      "tpu.region"() ({
        %run_scoped3A_495 = tpu.sem_alloc : memref<!tpu.dma_semaphore, #tpu.memory_space<semaphore_mem>>
        %dma_start3A_496 = arith.constant 0 : i32
        %dma_start3A_497 = arith.constant 0 : i32
        %dma_start3A_498 = tpu.memref_slice %arg8[%run_scoped3A, %dma_start3A_496, %dma_start3A_497] : memref<4x128x64xf32, #tpu.memory_space<vmem>> -> memref<1x125x64xf32, #tpu.memory_space<vmem>>
        %dma_start3A_499 = tpu.memref_squeeze %dma_start3A_498 : memref<1x125x64xf32, #tpu.memory_space<vmem>> -> memref<125x64xf32, #tpu.memory_space<vmem>>
        %dma_start3A_500 = arith.constant 0 : i32
        %dma_start3A_501 = tpu.memref_slice %arg10[%add3A_187, %dma_start3A_500] : memref<10064x64xf32, #tpu.memory_space<vmem_shared>> -> memref<125x64xf32, #tpu.memory_space<vmem_shared>>
        %dma_start3A_502 = arith.constant 0 : i32
        %dma_start3A_503 = arith.constant 0 : i32
        %dma_start3A_504 = tpu.memref_slice %arg8[%run_scoped3A, %dma_start3A_502, %dma_start3A_503] : memref<4x128x64xf32, #tpu.memory_space<vmem>> -> memref<1x125x64xf32, #tpu.memory_space<vmem>>
        %dma_start3A_505 = tpu.memref_squeeze %dma_start3A_504 : memref<1x125x64xf32, #tpu.memory_space<vmem>> -> memref<125x64xf32, #tpu.memory_space<vmem>>
        %dma_start3A_506 = arith.constant 0 : i32
        %dma_start3A_507 = tpu.memref_slice %arg10[%add3A_187, %dma_start3A_506] : memref<10064x64xf32, #tpu.memory_space<vmem_shared>> -> memref<125x64xf32, #tpu.memory_space<vmem_shared>>
        tpu.enqueue_dma source(%dma_start3A_507 : memref<125x64xf32, #tpu.memory_space<vmem_shared>>) target(%dma_start3A_505 : memref<125x64xf32, #tpu.memory_space<vmem>>) target_semaphore(%run_scoped3A_495 : memref<!tpu.dma_semaphore, #tpu.memory_space<semaphore_mem>>)
        %dma_wait3A_508 = arith.constant 0 : i32
        %dma_wait3A_509 = arith.constant 0 : i32
        %dma_wait3A_510 = tpu.memref_slice %arg8[%run_scoped3A, %dma_wait3A_508, %dma_wait3A_509] : memref<4x128x64xf32, #tpu.memory_space<vmem>> -> memref<1x125x64xf32, #tpu.memory_space<vmem>>
        %dma_wait3A_511 = tpu.memref_squeeze %dma_wait3A_510 : memref<1x125x64xf32, #tpu.memory_space<vmem>> -> memref<125x64xf32, #tpu.memory_space<vmem>>
        %dma_wait3A_512 = arith.constant 0 : i32
        %dma_wait3A_513 = tpu.memref_slice %arg10[%add3A_187, %dma_wait3A_512] : memref<10064x64xf32, #tpu.memory_space<vmem_shared>> -> memref<125x64xf32, #tpu.memory_space<vmem_shared>>
        %dma_wait3A_514 = arith.constant 0 : i32
        %dma_wait3A_515 = arith.constant 0 : i32
        %dma_wait3A_516 = tpu.memref_slice %arg8[%run_scoped3A, %dma_wait3A_514, %dma_wait3A_515] : memref<4x128x64xf32, #tpu.memory_space<vmem>> -> memref<1x125x64xf32, #tpu.memory_space<vmem>>
        %dma_wait3A_517 = tpu.memref_squeeze %dma_wait3A_516 : memref<1x125x64xf32, #tpu.memory_space<vmem>> -> memref<125x64xf32, #tpu.memory_space<vmem>>
        %dma_wait3A_518 = arith.constant 0 : i32
        %dma_wait3A_519 = tpu.memref_slice %arg10[%add3A_187, %dma_wait3A_518] : memref<10064x64xf32, #tpu.memory_space<vmem_shared>> -> memref<125x64xf32, #tpu.memory_space<vmem_shared>>
        tpu.wait_dma2 semaphore(%run_scoped3A_495 : memref<!tpu.dma_semaphore, #tpu.memory_space<semaphore_mem>>) src(%dma_wait3A_519 : memref<125x64xf32, #tpu.memory_space<vmem_shared>>) dst(%dma_wait3A_517 : memref<125x64xf32, #tpu.memory_space<vmem>>)
        tpu.yield
      }) : () -> ()
      %dma_start3A_188 = arith.constant 0 : i32
      %dma_start3A_189 = arith.constant 0 : i32
      %dma_start3A_190 = arith.constant 0 : i32
      %dma_start3A_191 = tpu.memref_slice %arg8[%dma_start3A_188, %dma_start3A_189, %dma_start3A_190] : memref<4x128x64xf32, #tpu.memory_space<vmem>> -> memref<1x125x64xf32, #tpu.memory_space<vmem>>
      %dma_start3A_192 = tpu.memref_squeeze %dma_start3A_191 : memref<1x125x64xf32, #tpu.memory_space<vmem>> -> memref<125x64xf32, #tpu.memory_space<vmem>>
      %dma_start3A_193 = arith.constant 0 : i32
      %dma_start3A_194 = tpu.memref_slice %arg5[%arg0, %add3A_187, %dma_start3A_193] : memref<2x10000x64xf32, #tpu.memory_space<hbm>> -> memref<1x125x64xf32, #tpu.memory_space<hbm>>
      %dma_start3A_195 = tpu.memref_squeeze %dma_start3A_194 : memref<1x125x64xf32, #tpu.memory_space<hbm>> -> memref<125x64xf32, #tpu.memory_space<hbm>>
      %dma_start3A_196 = arith.constant 0 : i32
      %dma_start3A_197 = tpu.memref_slice %arg5[%arg0, %add3A_187, %dma_start3A_196] : memref<2x10000x64xf32, #tpu.memory_space<hbm>> -> memref<1x125x64xf32, #tpu.memory_space<hbm>>
      %dma_start3A_198 = tpu.memref_squeeze %dma_start3A_197 : memref<1x125x64xf32, #tpu.memory_space<hbm>> -> memref<125x64xf32, #tpu.memory_space<hbm>>
      %dma_start3A_199 = arith.constant 0 : i32
      %dma_start3A_200 = arith.constant 0 : i32
      %dma_start3A_201 = tpu.memref_slice %arg8[%dma_start3A_188, %dma_start3A_199, %dma_start3A_200] : memref<4x128x64xf32, #tpu.memory_space<vmem>> -> memref<1x125x64xf32, #tpu.memory_space<vmem>>
      %dma_start3A_202 = tpu.memref_squeeze %dma_start3A_201 : memref<1x125x64xf32, #tpu.memory_space<vmem>> -> memref<125x64xf32, #tpu.memory_space<vmem>>
      tpu.enqueue_dma source(%dma_start3A_202 : memref<125x64xf32, #tpu.memory_space<vmem>>) target(%dma_start3A_198 : memref<125x64xf32, #tpu.memory_space<hbm>>) target_semaphore(%arg15 : memref<!tpu.dma_semaphore, #tpu.memory_space<semaphore_mem>>)
      %mul3A_203 = arith.constant 1000 : i32
      %mul3A_204 = arith.muli %arg1, %mul3A_203 : i32
      %add3A_205 = arith.constant 125 : i32
      %add3A_206 = arith.addi %mul3A_204, %add3A_205 : i32
      %run_scoped3A_207 = arith.constant 1 : i32
      "tpu.region"() ({
        %run_scoped3A_495 = tpu.sem_alloc : memref<!tpu.dma_semaphore, #tpu.memory_space<semaphore_mem>>
        %dma_start3A_496 = arith.constant 0 : i32
        %dma_start3A_497 = arith.constant 0 : i32
        %dma_start3A_498 = tpu.memref_slice %arg8[%run_scoped3A_207, %dma_start3A_496, %dma_start3A_497] : memref<4x128x64xf32, #tpu.memory_space<vmem>> -> memref<1x125x64xf32, #tpu.memory_space<vmem>>
        %dma_start3A_499 = tpu.memref_squeeze %dma_start3A_498 : memref<1x125x64xf32, #tpu.memory_space<vmem>> -> memref<125x64xf32, #tpu.memory_space<vmem>>
        %dma_start3A_500 = arith.constant 0 : i32
        %dma_start3A_501 = tpu.memref_slice %arg10[%add3A_206, %dma_start3A_500] : memref<10064x64xf32, #tpu.memory_space<vmem_shared>> -> memref<125x64xf32, #tpu.memory_space<vmem_shared>>
        %dma_start3A_502 = arith.constant 0 : i32
        %dma_start3A_503 = arith.constant 0 : i32
        %dma_start3A_504 = tpu.memref_slice %arg8[%run_scoped3A_207, %dma_start3A_502, %dma_start3A_503] : memref<4x128x64xf32, #tpu.memory_space<vmem>> -> memref<1x125x64xf32, #tpu.memory_space<vmem>>
        %dma_start3A_505 = tpu.memref_squeeze %dma_start3A_504 : memref<1x125x64xf32, #tpu.memory_space<vmem>> -> memref<125x64xf32, #tpu.memory_space<vmem>>
        %dma_start3A_506 = arith.constant 0 : i32
        %dma_start3A_507 = tpu.memref_slice %arg10[%add3A_206, %dma_start3A_506] : memref<10064x64xf32, #tpu.memory_space<vmem_shared>> -> memref<125x64xf32, #tpu.memory_space<vmem_shared>>
        tpu.enqueue_dma source(%dma_start3A_507 : memref<125x64xf32, #tpu.memory_space<vmem_shared>>) target(%dma_start3A_505 : memref<125x64xf32, #tpu.memory_space<vmem>>) target_semaphore(%run_scoped3A_495 : memref<!tpu.dma_semaphore, #tpu.memory_space<semaphore_mem>>)
        %dma_wait3A_508 = arith.constant 0 : i32
        %dma_wait3A_509 = arith.constant 0 : i32
        %dma_wait3A_510 = tpu.memref_slice %arg8[%run_scoped3A_207, %dma_wait3A_508, %dma_wait3A_509] : memref<4x128x64xf32, #tpu.memory_space<vmem>> -> memref<1x125x64xf32, #tpu.memory_space<vmem>>
        %dma_wait3A_511 = tpu.memref_squeeze %dma_wait3A_510 : memref<1x125x64xf32, #tpu.memory_space<vmem>> -> memref<125x64xf32, #tpu.memory_space<vmem>>
        %dma_wait3A_512 = arith.constant 0 : i32
        %dma_wait3A_513 = tpu.memref_slice %arg10[%add3A_206, %dma_wait3A_512] : memref<10064x64xf32, #tpu.memory_space<vmem_shared>> -> memref<125x64xf32, #tpu.memory_space<vmem_shared>>
        %dma_wait3A_514 = arith.constant 0 : i32
        %dma_wait3A_515 = arith.constant 0 : i32
        %dma_wait3A_516 = tpu.memref_slice %arg8[%run_scoped3A_207, %dma_wait3A_514, %dma_wait3A_515] : memref<4x128x64xf32, #tpu.memory_space<vmem>> -> memref<1x125x64xf32, #tpu.memory_space<vmem>>
        %dma_wait3A_517 = tpu.memref_squeeze %dma_wait3A_516 : memref<1x125x64xf32, #tpu.memory_space<vmem>> -> memref<125x64xf32, #tpu.memory_space<vmem>>
        %dma_wait3A_518 = arith.constant 0 : i32
        %dma_wait3A_519 = tpu.memref_slice %arg10[%add3A_206, %dma_wait3A_518] : memref<10064x64xf32, #tpu.memory_space<vmem_shared>> -> memref<125x64xf32, #tpu.memory_space<vmem_shared>>
        tpu.wait_dma2 semaphore(%run_scoped3A_495 : memref<!tpu.dma_semaphore, #tpu.memory_space<semaphore_mem>>) src(%dma_wait3A_519 : memref<125x64xf32, #tpu.memory_space<vmem_shared>>) dst(%dma_wait3A_517 : memref<125x64xf32, #tpu.memory_space<vmem>>)
        tpu.yield
      }) : () -> ()
      %dma_start3A_208 = arith.constant 1 : i32
      %dma_start3A_209 = arith.constant 0 : i32
      %dma_start3A_210 = arith.constant 0 : i32
      %dma_start3A_211 = tpu.memref_slice %arg8[%dma_start3A_208, %dma_start3A_209, %dma_start3A_210] : memref<4x128x64xf32, #tpu.memory_space<vmem>> -> memref<1x125x64xf32, #tpu.memory_space<vmem>>
      %dma_start3A_212 = tpu.memref_squeeze %dma_start3A_211 : memref<1x125x64xf32, #tpu.memory_space<vmem>> -> memref<125x64xf32, #tpu.memory_space<vmem>>
      %dma_start3A_213 = arith.constant 0 : i32
      %dma_start3A_214 = tpu.memref_slice %arg5[%arg0, %add3A_206, %dma_start3A_213] : memref<2x10000x64xf32, #tpu.memory_space<hbm>> -> memref<1x125x64xf32, #tpu.memory_space<hbm>>
      %dma_start3A_215 = tpu.memref_squeeze %dma_start3A_214 : memref<1x125x64xf32, #tpu.memory_space<hbm>> -> memref<125x64xf32, #tpu.memory_space<hbm>>
      %dma_start3A_216 = arith.constant 0 : i32
      %dma_start3A_217 = tpu.memref_slice %arg5[%arg0, %add3A_206, %dma_start3A_216] : memref<2x10000x64xf32, #tpu.memory_space<hbm>> -> memref<1x125x64xf32, #tpu.memory_space<hbm>>
      %dma_start3A_218 = tpu.memref_squeeze %dma_start3A_217 : memref<1x125x64xf32, #tpu.memory_space<hbm>> -> memref<125x64xf32, #tpu.memory_space<hbm>>
      %dma_start3A_219 = arith.constant 0 : i32
      %dma_start3A_220 = arith.constant 0 : i32
      %dma_start3A_221 = tpu.memref_slice %arg8[%dma_start3A_208, %dma_start3A_219, %dma_start3A_220] : memref<4x128x64xf32, #tpu.memory_space<vmem>> -> memref<1x125x64xf32, #tpu.memory_space<vmem>>
      %dma_start3A_222 = tpu.memref_squeeze %dma_start3A_221 : memref<1x125x64xf32, #tpu.memory_space<vmem>> -> memref<125x64xf32, #tpu.memory_space<vmem>>
      tpu.enqueue_dma source(%dma_start3A_222 : memref<125x64xf32, #tpu.memory_space<vmem>>) target(%dma_start3A_218 : memref<125x64xf32, #tpu.memory_space<hbm>>) target_semaphore(%arg15 : memref<!tpu.dma_semaphore, #tpu.memory_space<semaphore_mem>>)
      %mul3A_223 = arith.constant 1000 : i32
      %mul3A_224 = arith.muli %arg1, %mul3A_223 : i32
      %add3A_225 = arith.constant 250 : i32
      %add3A_226 = arith.addi %mul3A_224, %add3A_225 : i32
      %mul3A_227 = arith.constant 1000 : i32
      %mul3A_228 = arith.muli %arg1, %mul3A_227 : i32
      %add3A_229 = arith.constant 0 : i32
      %add3A_230 = arith.addi %mul3A_228, %add3A_229 : i32
      %dma_wait3A_231 = arith.constant 0 : i32
      %dma_wait3A_232 = arith.constant 0 : i32
      %dma_wait3A_233 = arith.constant 0 : i32
      %dma_wait3A_234 = tpu.memref_slice %arg8[%dma_wait3A_231, %dma_wait3A_232, %dma_wait3A_233] : memref<4x128x64xf32, #tpu.memory_space<vmem>> -> memref<1x125x64xf32, #tpu.memory_space<vmem>>
      %dma_wait3A_235 = tpu.memref_squeeze %dma_wait3A_234 : memref<1x125x64xf32, #tpu.memory_space<vmem>> -> memref<125x64xf32, #tpu.memory_space<vmem>>
      %dma_wait3A_236 = arith.constant 0 : i32
      %dma_wait3A_237 = tpu.memref_slice %arg5[%arg0, %add3A_230, %dma_wait3A_236] : memref<2x10000x64xf32, #tpu.memory_space<hbm>> -> memref<1x125x64xf32, #tpu.memory_space<hbm>>
      %dma_wait3A_238 = tpu.memref_squeeze %dma_wait3A_237 : memref<1x125x64xf32, #tpu.memory_space<hbm>> -> memref<125x64xf32, #tpu.memory_space<hbm>>
      %dma_wait3A_239 = arith.constant 0 : i32
      %dma_wait3A_240 = tpu.memref_slice %arg5[%arg0, %add3A_230, %dma_wait3A_239] : memref<2x10000x64xf32, #tpu.memory_space<hbm>> -> memref<1x125x64xf32, #tpu.memory_space<hbm>>
      %dma_wait3A_241 = tpu.memref_squeeze %dma_wait3A_240 : memref<1x125x64xf32, #tpu.memory_space<hbm>> -> memref<125x64xf32, #tpu.memory_space<hbm>>
      %dma_wait3A_242 = arith.constant 0 : i32
      %dma_wait3A_243 = arith.constant 0 : i32
      %dma_wait3A_244 = tpu.memref_slice %arg8[%dma_wait3A_231, %dma_wait3A_242, %dma_wait3A_243] : memref<4x128x64xf32, #tpu.memory_space<vmem>> -> memref<1x125x64xf32, #tpu.memory_space<vmem>>
      %dma_wait3A_245 = tpu.memref_squeeze %dma_wait3A_244 : memref<1x125x64xf32, #tpu.memory_space<vmem>> -> memref<125x64xf32, #tpu.memory_space<vmem>>
      tpu.wait_dma2 semaphore(%arg15 : memref<!tpu.dma_semaphore, #tpu.memory_space<semaphore_mem>>) src(%dma_wait3A_245 : memref<125x64xf32, #tpu.memory_space<vmem>>) dst(%dma_wait3A_241 : memref<125x64xf32, #tpu.memory_space<hbm>>)
      %run_scoped3A_246 = arith.constant 0 : i32
      "tpu.region"() ({
        %run_scoped3A_495 = tpu.sem_alloc : memref<!tpu.dma_semaphore, #tpu.memory_space<semaphore_mem>>
        %dma_start3A_496 = arith.constant 0 : i32
        %dma_start3A_497 = arith.constant 0 : i32
        %dma_start3A_498 = tpu.memref_slice %arg8[%run_scoped3A_246, %dma_start3A_496, %dma_start3A_497] : memref<4x128x64xf32, #tpu.memory_space<vmem>> -> memref<1x125x64xf32, #tpu.memory_space<vmem>>
        %dma_start3A_499 = tpu.memref_squeeze %dma_start3A_498 : memref<1x125x64xf32, #tpu.memory_space<vmem>> -> memref<125x64xf32, #tpu.memory_space<vmem>>
        %dma_start3A_500 = arith.constant 0 : i32
        %dma_start3A_501 = tpu.memref_slice %arg10[%add3A_226, %dma_start3A_500] : memref<10064x64xf32, #tpu.memory_space<vmem_shared>> -> memref<125x64xf32, #tpu.memory_space<vmem_shared>>
        %dma_start3A_502 = arith.constant 0 : i32
        %dma_start3A_503 = arith.constant 0 : i32
        %dma_start3A_504 = tpu.memref_slice %arg8[%run_scoped3A_246, %dma_start3A_502, %dma_start3A_503] : memref<4x128x64xf32, #tpu.memory_space<vmem>> -> memref<1x125x64xf32, #tpu.memory_space<vmem>>
        %dma_start3A_505 = tpu.memref_squeeze %dma_start3A_504 : memref<1x125x64xf32, #tpu.memory_space<vmem>> -> memref<125x64xf32, #tpu.memory_space<vmem>>
        %dma_start3A_506 = arith.constant 0 : i32
        %dma_start3A_507 = tpu.memref_slice %arg10[%add3A_226, %dma_start3A_506] : memref<10064x64xf32, #tpu.memory_space<vmem_shared>> -> memref<125x64xf32, #tpu.memory_space<vmem_shared>>
        tpu.enqueue_dma source(%dma_start3A_507 : memref<125x64xf32, #tpu.memory_space<vmem_shared>>) target(%dma_start3A_505 : memref<125x64xf32, #tpu.memory_space<vmem>>) target_semaphore(%run_scoped3A_495 : memref<!tpu.dma_semaphore, #tpu.memory_space<semaphore_mem>>)
        %dma_wait3A_508 = arith.constant 0 : i32
        %dma_wait3A_509 = arith.constant 0 : i32
        %dma_wait3A_510 = tpu.memref_slice %arg8[%run_scoped3A_246, %dma_wait3A_508, %dma_wait3A_509] : memref<4x128x64xf32, #tpu.memory_space<vmem>> -> memref<1x125x64xf32, #tpu.memory_space<vmem>>
        %dma_wait3A_511 = tpu.memref_squeeze %dma_wait3A_510 : memref<1x125x64xf32, #tpu.memory_space<vmem>> -> memref<125x64xf32, #tpu.memory_space<vmem>>
        %dma_wait3A_512 = arith.constant 0 : i32
        %dma_wait3A_513 = tpu.memref_slice %arg10[%add3A_226, %dma_wait3A_512] : memref<10064x64xf32, #tpu.memory_space<vmem_shared>> -> memref<125x64xf32, #tpu.memory_space<vmem_shared>>
        %dma_wait3A_514 = arith.constant 0 : i32
        %dma_wait3A_515 = arith.constant 0 : i32
        %dma_wait3A_516 = tpu.memref_slice %arg8[%run_scoped3A_246, %dma_wait3A_514, %dma_wait3A_515] : memref<4x128x64xf32, #tpu.memory_space<vmem>> -> memref<1x125x64xf32, #tpu.memory_space<vmem>>
        %dma_wait3A_517 = tpu.memref_squeeze %dma_wait3A_516 : memref<1x125x64xf32, #tpu.memory_space<vmem>> -> memref<125x64xf32, #tpu.memory_space<vmem>>
        %dma_wait3A_518 = arith.constant 0 : i32
        %dma_wait3A_519 = tpu.memref_slice %arg10[%add3A_226, %dma_wait3A_518] : memref<10064x64xf32, #tpu.memory_space<vmem_shared>> -> memref<125x64xf32, #tpu.memory_space<vmem_shared>>
        tpu.wait_dma2 semaphore(%run_scoped3A_495 : memref<!tpu.dma_semaphore, #tpu.memory_space<semaphore_mem>>) src(%dma_wait3A_519 : memref<125x64xf32, #tpu.memory_space<vmem_shared>>) dst(%dma_wait3A_517 : memref<125x64xf32, #tpu.memory_space<vmem>>)
        tpu.yield
      }) : () -> ()
      %dma_start3A_247 = arith.constant 0 : i32
      %dma_start3A_248 = arith.constant 0 : i32
      %dma_start3A_249 = arith.constant 0 : i32
      %dma_start3A_250 = tpu.memref_slice %arg8[%dma_start3A_247, %dma_start3A_248, %dma_start3A_249] : memref<4x128x64xf32, #tpu.memory_space<vmem>> -> memref<1x125x64xf32, #tpu.memory_space<vmem>>
      %dma_start3A_251 = tpu.memref_squeeze %dma_start3A_250 : memref<1x125x64xf32, #tpu.memory_space<vmem>> -> memref<125x64xf32, #tpu.memory_space<vmem>>
      %dma_start3A_252 = arith.constant 0 : i32
      %dma_start3A_253 = tpu.memref_slice %arg5[%arg0, %add3A_226, %dma_start3A_252] : memref<2x10000x64xf32, #tpu.memory_space<hbm>> -> memref<1x125x64xf32, #tpu.memory_space<hbm>>
      %dma_start3A_254 = tpu.memref_squeeze %dma_start3A_253 : memref<1x125x64xf32, #tpu.memory_space<hbm>> -> memref<125x64xf32, #tpu.memory_space<hbm>>
      %dma_start3A_255 = arith.constant 0 : i32
      %dma_start3A_256 = tpu.memref_slice %arg5[%arg0, %add3A_226, %dma_start3A_255] : memref<2x10000x64xf32, #tpu.memory_space<hbm>> -> memref<1x125x64xf32, #tpu.memory_space<hbm>>
      %dma_start3A_257 = tpu.memref_squeeze %dma_start3A_256 : memref<1x125x64xf32, #tpu.memory_space<hbm>> -> memref<125x64xf32, #tpu.memory_space<hbm>>
      %dma_start3A_258 = arith.constant 0 : i32
      %dma_start3A_259 = arith.constant 0 : i32
      %dma_start3A_260 = tpu.memref_slice %arg8[%dma_start3A_247, %dma_start3A_258, %dma_start3A_259] : memref<4x128x64xf32, #tpu.memory_space<vmem>> -> memref<1x125x64xf32, #tpu.memory_space<vmem>>
      %dma_start3A_261 = tpu.memref_squeeze %dma_start3A_260 : memref<1x125x64xf32, #tpu.memory_space<vmem>> -> memref<125x64xf32, #tpu.memory_space<vmem>>
      tpu.enqueue_dma source(%dma_start3A_261 : memref<125x64xf32, #tpu.memory_space<vmem>>) target(%dma_start3A_257 : memref<125x64xf32, #tpu.memory_space<hbm>>) target_semaphore(%arg15 : memref<!tpu.dma_semaphore, #tpu.memory_space<semaphore_mem>>)
      %mul3A_262 = arith.constant 1000 : i32
      %mul3A_263 = arith.muli %arg1, %mul3A_262 : i32
      %add3A_264 = arith.constant 375 : i32
      %add3A_265 = arith.addi %mul3A_263, %add3A_264 : i32
      %mul3A_266 = arith.constant 1000 : i32
      %mul3A_267 = arith.muli %arg1, %mul3A_266 : i32
      %add3A_268 = arith.constant 125 : i32
      %add3A_269 = arith.addi %mul3A_267, %add3A_268 : i32
      %dma_wait3A_270 = arith.constant 1 : i32
      %dma_wait3A_271 = arith.constant 0 : i32
      %dma_wait3A_272 = arith.constant 0 : i32
      %dma_wait3A_273 = tpu.memref_slice %arg8[%dma_wait3A_270, %dma_wait3A_271, %dma_wait3A_272] : memref<4x128x64xf32, #tpu.memory_space<vmem>> -> memref<1x125x64xf32, #tpu.memory_space<vmem>>
      %dma_wait3A_274 = tpu.memref_squeeze %dma_wait3A_273 : memref<1x125x64xf32, #tpu.memory_space<vmem>> -> memref<125x64xf32, #tpu.memory_space<vmem>>
      %dma_wait3A_275 = arith.constant 0 : i32
      %dma_wait3A_276 = tpu.memref_slice %arg5[%arg0, %add3A_269, %dma_wait3A_275] : memref<2x10000x64xf32, #tpu.memory_space<hbm>> -> memref<1x125x64xf32, #tpu.memory_space<hbm>>
      %dma_wait3A_277 = tpu.memref_squeeze %dma_wait3A_276 : memref<1x125x64xf32, #tpu.memory_space<hbm>> -> memref<125x64xf32, #tpu.memory_space<hbm>>
      %dma_wait3A_278 = arith.constant 0 : i32
      %dma_wait3A_279 = tpu.memref_slice %arg5[%arg0, %add3A_269, %dma_wait3A_278] : memref<2x10000x64xf32, #tpu.memory_space<hbm>> -> memref<1x125x64xf32, #tpu.memory_space<hbm>>
      %dma_wait3A_280 = tpu.memref_squeeze %dma_wait3A_279 : memref<1x125x64xf32, #tpu.memory_space<hbm>> -> memref<125x64xf32, #tpu.memory_space<hbm>>
      %dma_wait3A_281 = arith.constant 0 : i32
      %dma_wait3A_282 = arith.constant 0 : i32
      %dma_wait3A_283 = tpu.memref_slice %arg8[%dma_wait3A_270, %dma_wait3A_281, %dma_wait3A_282] : memref<4x128x64xf32, #tpu.memory_space<vmem>> -> memref<1x125x64xf32, #tpu.memory_space<vmem>>
      %dma_wait3A_284 = tpu.memref_squeeze %dma_wait3A_283 : memref<1x125x64xf32, #tpu.memory_space<vmem>> -> memref<125x64xf32, #tpu.memory_space<vmem>>
      tpu.wait_dma2 semaphore(%arg15 : memref<!tpu.dma_semaphore, #tpu.memory_space<semaphore_mem>>) src(%dma_wait3A_284 : memref<125x64xf32, #tpu.memory_space<vmem>>) dst(%dma_wait3A_280 : memref<125x64xf32, #tpu.memory_space<hbm>>)
      %run_scoped3A_285 = arith.constant 1 : i32
      "tpu.region"() ({
        %run_scoped3A_495 = tpu.sem_alloc : memref<!tpu.dma_semaphore, #tpu.memory_space<semaphore_mem>>
        %dma_start3A_496 = arith.constant 0 : i32
        %dma_start3A_497 = arith.constant 0 : i32
        %dma_start3A_498 = tpu.memref_slice %arg8[%run_scoped3A_285, %dma_start3A_496, %dma_start3A_497] : memref<4x128x64xf32, #tpu.memory_space<vmem>> -> memref<1x125x64xf32, #tpu.memory_space<vmem>>
        %dma_start3A_499 = tpu.memref_squeeze %dma_start3A_498 : memref<1x125x64xf32, #tpu.memory_space<vmem>> -> memref<125x64xf32, #tpu.memory_space<vmem>>
        %dma_start3A_500 = arith.constant 0 : i32
        %dma_start3A_501 = tpu.memref_slice %arg10[%add3A_265, %dma_start3A_500] : memref<10064x64xf32, #tpu.memory_space<vmem_shared>> -> memref<125x64xf32, #tpu.memory_space<vmem_shared>>
        %dma_start3A_502 = arith.constant 0 : i32
        %dma_start3A_503 = arith.constant 0 : i32
        %dma_start3A_504 = tpu.memref_slice %arg8[%run_scoped3A_285, %dma_start3A_502, %dma_start3A_503] : memref<4x128x64xf32, #tpu.memory_space<vmem>> -> memref<1x125x64xf32, #tpu.memory_space<vmem>>
        %dma_start3A_505 = tpu.memref_squeeze %dma_start3A_504 : memref<1x125x64xf32, #tpu.memory_space<vmem>> -> memref<125x64xf32, #tpu.memory_space<vmem>>
        %dma_start3A_506 = arith.constant 0 : i32
        %dma_start3A_507 = tpu.memref_slice %arg10[%add3A_265, %dma_start3A_506] : memref<10064x64xf32, #tpu.memory_space<vmem_shared>> -> memref<125x64xf32, #tpu.memory_space<vmem_shared>>
        tpu.enqueue_dma source(%dma_start3A_507 : memref<125x64xf32, #tpu.memory_space<vmem_shared>>) target(%dma_start3A_505 : memref<125x64xf32, #tpu.memory_space<vmem>>) target_semaphore(%run_scoped3A_495 : memref<!tpu.dma_semaphore, #tpu.memory_space<semaphore_mem>>)
        %dma_wait3A_508 = arith.constant 0 : i32
        %dma_wait3A_509 = arith.constant 0 : i32
        %dma_wait3A_510 = tpu.memref_slice %arg8[%run_scoped3A_285, %dma_wait3A_508, %dma_wait3A_509] : memref<4x128x64xf32, #tpu.memory_space<vmem>> -> memref<1x125x64xf32, #tpu.memory_space<vmem>>
        %dma_wait3A_511 = tpu.memref_squeeze %dma_wait3A_510 : memref<1x125x64xf32, #tpu.memory_space<vmem>> -> memref<125x64xf32, #tpu.memory_space<vmem>>
        %dma_wait3A_512 = arith.constant 0 : i32
        %dma_wait3A_513 = tpu.memref_slice %arg10[%add3A_265, %dma_wait3A_512] : memref<10064x64xf32, #tpu.memory_space<vmem_shared>> -> memref<125x64xf32, #tpu.memory_space<vmem_shared>>
        %dma_wait3A_514 = arith.constant 0 : i32
        %dma_wait3A_515 = arith.constant 0 : i32
        %dma_wait3A_516 = tpu.memref_slice %arg8[%run_scoped3A_285, %dma_wait3A_514, %dma_wait3A_515] : memref<4x128x64xf32, #tpu.memory_space<vmem>> -> memref<1x125x64xf32, #tpu.memory_space<vmem>>
        %dma_wait3A_517 = tpu.memref_squeeze %dma_wait3A_516 : memref<1x125x64xf32, #tpu.memory_space<vmem>> -> memref<125x64xf32, #tpu.memory_space<vmem>>
        %dma_wait3A_518 = arith.constant 0 : i32
        %dma_wait3A_519 = tpu.memref_slice %arg10[%add3A_265, %dma_wait3A_518] : memref<10064x64xf32, #tpu.memory_space<vmem_shared>> -> memref<125x64xf32, #tpu.memory_space<vmem_shared>>
        tpu.wait_dma2 semaphore(%run_scoped3A_495 : memref<!tpu.dma_semaphore, #tpu.memory_space<semaphore_mem>>) src(%dma_wait3A_519 : memref<125x64xf32, #tpu.memory_space<vmem_shared>>) dst(%dma_wait3A_517 : memref<125x64xf32, #tpu.memory_space<vmem>>)
        tpu.yield
      }) : () -> ()
      %dma_start3A_286 = arith.constant 1 : i32
      %dma_start3A_287 = arith.constant 0 : i32
      %dma_start3A_288 = arith.constant 0 : i32
      %dma_start3A_289 = tpu.memref_slice %arg8[%dma_start3A_286, %dma_start3A_287, %dma_start3A_288] : memref<4x128x64xf32, #tpu.memory_space<vmem>> -> memref<1x125x64xf32, #tpu.memory_space<vmem>>
      %dma_start3A_290 = tpu.memref_squeeze %dma_start3A_289 : memref<1x125x64xf32, #tpu.memory_space<vmem>> -> memref<125x64xf32, #tpu.memory_space<vmem>>
      %dma_start3A_291 = arith.constant 0 : i32
      %dma_start3A_292 = tpu.memref_slice %arg5[%arg0, %add3A_265, %dma_start3A_291] : memref<2x10000x64xf32, #tpu.memory_space<hbm>> -> memref<1x125x64xf32, #tpu.memory_space<hbm>>
      %dma_start3A_293 = tpu.memref_squeeze %dma_start3A_292 : memref<1x125x64xf32, #tpu.memory_space<hbm>> -> memref<125x64xf32, #tpu.memory_space<hbm>>
      %dma_start3A_294 = arith.constant 0 : i32
      %dma_start3A_295 = tpu.memref_slice %arg5[%arg0, %add3A_265, %dma_start3A_294] : memref<2x10000x64xf32, #tpu.memory_space<hbm>> -> memref<1x125x64xf32, #tpu.memory_space<hbm>>
      %dma_start3A_296 = tpu.memref_squeeze %dma_start3A_295 : memref<1x125x64xf32, #tpu.memory_space<hbm>> -> memref<125x64xf32, #tpu.memory_space<hbm>>
      %dma_start3A_297 = arith.constant 0 : i32
      %dma_start3A_298 = arith.constant 0 : i32
      %dma_start3A_299 = tpu.memref_slice %arg8[%dma_start3A_286, %dma_start3A_297, %dma_start3A_298] : memref<4x128x64xf32, #tpu.memory_space<vmem>> -> memref<1x125x64xf32, #tpu.memory_space<vmem>>
      %dma_start3A_300 = tpu.memref_squeeze %dma_start3A_299 : memref<1x125x64xf32, #tpu.memory_space<vmem>> -> memref<125x64xf32, #tpu.memory_space<vmem>>
      tpu.enqueue_dma source(%dma_start3A_300 : memref<125x64xf32, #tpu.memory_space<vmem>>) target(%dma_start3A_296 : memref<125x64xf32, #tpu.memory_space<hbm>>) target_semaphore(%arg15 : memref<!tpu.dma_semaphore, #tpu.memory_space<semaphore_mem>>)
      %mul3A_301 = arith.constant 1000 : i32
      %mul3A_302 = arith.muli %arg1, %mul3A_301 : i32
      %add3A_303 = arith.constant 500 : i32
      %add3A_304 = arith.addi %mul3A_302, %add3A_303 : i32
      %mul3A_305 = arith.constant 1000 : i32
      %mul3A_306 = arith.muli %arg1, %mul3A_305 : i32
      %add3A_307 = arith.constant 250 : i32
      %add3A_308 = arith.addi %mul3A_306, %add3A_307 : i32
      %dma_wait3A_309 = arith.constant 0 : i32
      %dma_wait3A_310 = arith.constant 0 : i32
      %dma_wait3A_311 = arith.constant 0 : i32
      %dma_wait3A_312 = tpu.memref_slice %arg8[%dma_wait3A_309, %dma_wait3A_310, %dma_wait3A_311] : memref<4x128x64xf32, #tpu.memory_space<vmem>> -> memref<1x125x64xf32, #tpu.memory_space<vmem>>
      %dma_wait3A_313 = tpu.memref_squeeze %dma_wait3A_312 : memref<1x125x64xf32, #tpu.memory_space<vmem>> -> memref<125x64xf32, #tpu.memory_space<vmem>>
      %dma_wait3A_314 = arith.constant 0 : i32
      %dma_wait3A_315 = tpu.memref_slice %arg5[%arg0, %add3A_308, %dma_wait3A_314] : memref<2x10000x64xf32, #tpu.memory_space<hbm>> -> memref<1x125x64xf32, #tpu.memory_space<hbm>>
      %dma_wait3A_316 = tpu.memref_squeeze %dma_wait3A_315 : memref<1x125x64xf32, #tpu.memory_space<hbm>> -> memref<125x64xf32, #tpu.memory_space<hbm>>
      %dma_wait3A_317 = arith.constant 0 : i32
      %dma_wait3A_318 = tpu.memref_slice %arg5[%arg0, %add3A_308, %dma_wait3A_317] : memref<2x10000x64xf32, #tpu.memory_space<hbm>> -> memref<1x125x64xf32, #tpu.memory_space<hbm>>
      %dma_wait3A_319 = tpu.memref_squeeze %dma_wait3A_318 : memref<1x125x64xf32, #tpu.memory_space<hbm>> -> memref<125x64xf32, #tpu.memory_space<hbm>>
      %dma_wait3A_320 = arith.constant 0 : i32
      %dma_wait3A_321 = arith.constant 0 : i32
      %dma_wait3A_322 = tpu.memref_slice %arg8[%dma_wait3A_309, %dma_wait3A_320, %dma_wait3A_321] : memref<4x128x64xf32, #tpu.memory_space<vmem>> -> memref<1x125x64xf32, #tpu.memory_space<vmem>>
      %dma_wait3A_323 = tpu.memref_squeeze %dma_wait3A_322 : memref<1x125x64xf32, #tpu.memory_space<vmem>> -> memref<125x64xf32, #tpu.memory_space<vmem>>
      tpu.wait_dma2 semaphore(%arg15 : memref<!tpu.dma_semaphore, #tpu.memory_space<semaphore_mem>>) src(%dma_wait3A_323 : memref<125x64xf32, #tpu.memory_space<vmem>>) dst(%dma_wait3A_319 : memref<125x64xf32, #tpu.memory_space<hbm>>)
      %run_scoped3A_324 = arith.constant 0 : i32
      "tpu.region"() ({
        %run_scoped3A_495 = tpu.sem_alloc : memref<!tpu.dma_semaphore, #tpu.memory_space<semaphore_mem>>
        %dma_start3A_496 = arith.constant 0 : i32
        %dma_start3A_497 = arith.constant 0 : i32
        %dma_start3A_498 = tpu.memref_slice %arg8[%run_scoped3A_324, %dma_start3A_496, %dma_start3A_497] : memref<4x128x64xf32, #tpu.memory_space<vmem>> -> memref<1x125x64xf32, #tpu.memory_space<vmem>>
        %dma_start3A_499 = tpu.memref_squeeze %dma_start3A_498 : memref<1x125x64xf32, #tpu.memory_space<vmem>> -> memref<125x64xf32, #tpu.memory_space<vmem>>
        %dma_start3A_500 = arith.constant 0 : i32
        %dma_start3A_501 = tpu.memref_slice %arg10[%add3A_304, %dma_start3A_500] : memref<10064x64xf32, #tpu.memory_space<vmem_shared>> -> memref<125x64xf32, #tpu.memory_space<vmem_shared>>
        %dma_start3A_502 = arith.constant 0 : i32
        %dma_start3A_503 = arith.constant 0 : i32
        %dma_start3A_504 = tpu.memref_slice %arg8[%run_scoped3A_324, %dma_start3A_502, %dma_start3A_503] : memref<4x128x64xf32, #tpu.memory_space<vmem>> -> memref<1x125x64xf32, #tpu.memory_space<vmem>>
        %dma_start3A_505 = tpu.memref_squeeze %dma_start3A_504 : memref<1x125x64xf32, #tpu.memory_space<vmem>> -> memref<125x64xf32, #tpu.memory_space<vmem>>
        %dma_start3A_506 = arith.constant 0 : i32
        %dma_start3A_507 = tpu.memref_slice %arg10[%add3A_304, %dma_start3A_506] : memref<10064x64xf32, #tpu.memory_space<vmem_shared>> -> memref<125x64xf32, #tpu.memory_space<vmem_shared>>
        tpu.enqueue_dma source(%dma_start3A_507 : memref<125x64xf32, #tpu.memory_space<vmem_shared>>) target(%dma_start3A_505 : memref<125x64xf32, #tpu.memory_space<vmem>>) target_semaphore(%run_scoped3A_495 : memref<!tpu.dma_semaphore, #tpu.memory_space<semaphore_mem>>)
        %dma_wait3A_508 = arith.constant 0 : i32
        %dma_wait3A_509 = arith.constant 0 : i32
        %dma_wait3A_510 = tpu.memref_slice %arg8[%run_scoped3A_324, %dma_wait3A_508, %dma_wait3A_509] : memref<4x128x64xf32, #tpu.memory_space<vmem>> -> memref<1x125x64xf32, #tpu.memory_space<vmem>>
        %dma_wait3A_511 = tpu.memref_squeeze %dma_wait3A_510 : memref<1x125x64xf32, #tpu.memory_space<vmem>> -> memref<125x64xf32, #tpu.memory_space<vmem>>
        %dma_wait3A_512 = arith.constant 0 : i32
        %dma_wait3A_513 = tpu.memref_slice %arg10[%add3A_304, %dma_wait3A_512] : memref<10064x64xf32, #tpu.memory_space<vmem_shared>> -> memref<125x64xf32, #tpu.memory_space<vmem_shared>>
        %dma_wait3A_514 = arith.constant 0 : i32
        %dma_wait3A_515 = arith.constant 0 : i32
        %dma_wait3A_516 = tpu.memref_slice %arg8[%run_scoped3A_324, %dma_wait3A_514, %dma_wait3A_515] : memref<4x128x64xf32, #tpu.memory_space<vmem>> -> memref<1x125x64xf32, #tpu.memory_space<vmem>>
        %dma_wait3A_517 = tpu.memref_squeeze %dma_wait3A_516 : memref<1x125x64xf32, #tpu.memory_space<vmem>> -> memref<125x64xf32, #tpu.memory_space<vmem>>
        %dma_wait3A_518 = arith.constant 0 : i32
        %dma_wait3A_519 = tpu.memref_slice %arg10[%add3A_304, %dma_wait3A_518] : memref<10064x64xf32, #tpu.memory_space<vmem_shared>> -> memref<125x64xf32, #tpu.memory_space<vmem_shared>>
        tpu.wait_dma2 semaphore(%run_scoped3A_495 : memref<!tpu.dma_semaphore, #tpu.memory_space<semaphore_mem>>) src(%dma_wait3A_519 : memref<125x64xf32, #tpu.memory_space<vmem_shared>>) dst(%dma_wait3A_517 : memref<125x64xf32, #tpu.memory_space<vmem>>)
        tpu.yield
      }) : () -> ()
      %dma_start3A_325 = arith.constant 0 : i32
      %dma_start3A_326 = arith.constant 0 : i32
      %dma_start3A_327 = arith.constant 0 : i32
      %dma_start3A_328 = tpu.memref_slice %arg8[%dma_start3A_325, %dma_start3A_326, %dma_start3A_327] : memref<4x128x64xf32, #tpu.memory_space<vmem>> -> memref<1x125x64xf32, #tpu.memory_space<vmem>>
      %dma_start3A_329 = tpu.memref_squeeze %dma_start3A_328 : memref<1x125x64xf32, #tpu.memory_space<vmem>> -> memref<125x64xf32, #tpu.memory_space<vmem>>
      %dma_start3A_330 = arith.constant 0 : i32
      %dma_start3A_331 = tpu.memref_slice %arg5[%arg0, %add3A_304, %dma_start3A_330] : memref<2x10000x64xf32, #tpu.memory_space<hbm>> -> memref<1x125x64xf32, #tpu.memory_space<hbm>>
      %dma_start3A_332 = tpu.memref_squeeze %dma_start3A_331 : memref<1x125x64xf32, #tpu.memory_space<hbm>> -> memref<125x64xf32, #tpu.memory_space<hbm>>
      %dma_start3A_333 = arith.constant 0 : i32
      %dma_start3A_334 = tpu.memref_slice %arg5[%arg0, %add3A_304, %dma_start3A_333] : memref<2x10000x64xf32, #tpu.memory_space<hbm>> -> memref<1x125x64xf32, #tpu.memory_space<hbm>>
      %dma_start3A_335 = tpu.memref_squeeze %dma_start3A_334 : memref<1x125x64xf32, #tpu.memory_space<hbm>> -> memref<125x64xf32, #tpu.memory_space<hbm>>
      %dma_start3A_336 = arith.constant 0 : i32
      %dma_start3A_337 = arith.constant 0 : i32
      %dma_start3A_338 = tpu.memref_slice %arg8[%dma_start3A_325, %dma_start3A_336, %dma_start3A_337] : memref<4x128x64xf32, #tpu.memory_space<vmem>> -> memref<1x125x64xf32, #tpu.memory_space<vmem>>
      %dma_start3A_339 = tpu.memref_squeeze %dma_start3A_338 : memref<1x125x64xf32, #tpu.memory_space<vmem>> -> memref<125x64xf32, #tpu.memory_space<vmem>>
      tpu.enqueue_dma source(%dma_start3A_339 : memref<125x64xf32, #tpu.memory_space<vmem>>) target(%dma_start3A_335 : memref<125x64xf32, #tpu.memory_space<hbm>>) target_semaphore(%arg15 : memref<!tpu.dma_semaphore, #tpu.memory_space<semaphore_mem>>)
      %mul3A_340 = arith.constant 1000 : i32
      %mul3A_341 = arith.muli %arg1, %mul3A_340 : i32
      %add3A_342 = arith.constant 625 : i32
      %add3A_343 = arith.addi %mul3A_341, %add3A_342 : i32
      %mul3A_344 = arith.constant 1000 : i32
      %mul3A_345 = arith.muli %arg1, %mul3A_344 : i32
      %add3A_346 = arith.constant 375 : i32
      %add3A_347 = arith.addi %mul3A_345, %add3A_346 : i32
      %dma_wait3A_348 = arith.constant 1 : i32
      %dma_wait3A_349 = arith.constant 0 : i32
      %dma_wait3A_350 = arith.constant 0 : i32
      %dma_wait3A_351 = tpu.memref_slice %arg8[%dma_wait3A_348, %dma_wait3A_349, %dma_wait3A_350] : memref<4x128x64xf32, #tpu.memory_space<vmem>> -> memref<1x125x64xf32, #tpu.memory_space<vmem>>
      %dma_wait3A_352 = tpu.memref_squeeze %dma_wait3A_351 : memref<1x125x64xf32, #tpu.memory_space<vmem>> -> memref<125x64xf32, #tpu.memory_space<vmem>>
      %dma_wait3A_353 = arith.constant 0 : i32
      %dma_wait3A_354 = tpu.memref_slice %arg5[%arg0, %add3A_347, %dma_wait3A_353] : memref<2x10000x64xf32, #tpu.memory_space<hbm>> -> memref<1x125x64xf32, #tpu.memory_space<hbm>>
      %dma_wait3A_355 = tpu.memref_squeeze %dma_wait3A_354 : memref<1x125x64xf32, #tpu.memory_space<hbm>> -> memref<125x64xf32, #tpu.memory_space<hbm>>
      %dma_wait3A_356 = arith.constant 0 : i32
      %dma_wait3A_357 = tpu.memref_slice %arg5[%arg0, %add3A_347, %dma_wait3A_356] : memref<2x10000x64xf32, #tpu.memory_space<hbm>> -> memref<1x125x64xf32, #tpu.memory_space<hbm>>
      %dma_wait3A_358 = tpu.memref_squeeze %dma_wait3A_357 : memref<1x125x64xf32, #tpu.memory_space<hbm>> -> memref<125x64xf32, #tpu.memory_space<hbm>>
      %dma_wait3A_359 = arith.constant 0 : i32
      %dma_wait3A_360 = arith.constant 0 : i32
      %dma_wait3A_361 = tpu.memref_slice %arg8[%dma_wait3A_348, %dma_wait3A_359, %dma_wait3A_360] : memref<4x128x64xf32, #tpu.memory_space<vmem>> -> memref<1x125x64xf32, #tpu.memory_space<vmem>>
      %dma_wait3A_362 = tpu.memref_squeeze %dma_wait3A_361 : memref<1x125x64xf32, #tpu.memory_space<vmem>> -> memref<125x64xf32, #tpu.memory_space<vmem>>
      tpu.wait_dma2 semaphore(%arg15 : memref<!tpu.dma_semaphore, #tpu.memory_space<semaphore_mem>>) src(%dma_wait3A_362 : memref<125x64xf32, #tpu.memory_space<vmem>>) dst(%dma_wait3A_358 : memref<125x64xf32, #tpu.memory_space<hbm>>)
      %run_scoped3A_363 = arith.constant 1 : i32
      "tpu.region"() ({
        %run_scoped3A_495 = tpu.sem_alloc : memref<!tpu.dma_semaphore, #tpu.memory_space<semaphore_mem>>
        %dma_start3A_496 = arith.constant 0 : i32
        %dma_start3A_497 = arith.constant 0 : i32
        %dma_start3A_498 = tpu.memref_slice %arg8[%run_scoped3A_363, %dma_start3A_496, %dma_start3A_497] : memref<4x128x64xf32, #tpu.memory_space<vmem>> -> memref<1x125x64xf32, #tpu.memory_space<vmem>>
        %dma_start3A_499 = tpu.memref_squeeze %dma_start3A_498 : memref<1x125x64xf32, #tpu.memory_space<vmem>> -> memref<125x64xf32, #tpu.memory_space<vmem>>
        %dma_start3A_500 = arith.constant 0 : i32
        %dma_start3A_501 = tpu.memref_slice %arg10[%add3A_343, %dma_start3A_500] : memref<10064x64xf32, #tpu.memory_space<vmem_shared>> -> memref<125x64xf32, #tpu.memory_space<vmem_shared>>
        %dma_start3A_502 = arith.constant 0 : i32
        %dma_start3A_503 = arith.constant 0 : i32
        %dma_start3A_504 = tpu.memref_slice %arg8[%run_scoped3A_363, %dma_start3A_502, %dma_start3A_503] : memref<4x128x64xf32, #tpu.memory_space<vmem>> -> memref<1x125x64xf32, #tpu.memory_space<vmem>>
        %dma_start3A_505 = tpu.memref_squeeze %dma_start3A_504 : memref<1x125x64xf32, #tpu.memory_space<vmem>> -> memref<125x64xf32, #tpu.memory_space<vmem>>
        %dma_start3A_506 = arith.constant 0 : i32
        %dma_start3A_507 = tpu.memref_slice %arg10[%add3A_343, %dma_start3A_506] : memref<10064x64xf32, #tpu.memory_space<vmem_shared>> -> memref<125x64xf32, #tpu.memory_space<vmem_shared>>
        tpu.enqueue_dma source(%dma_start3A_507 : memref<125x64xf32, #tpu.memory_space<vmem_shared>>) target(%dma_start3A_505 : memref<125x64xf32, #tpu.memory_space<vmem>>) target_semaphore(%run_scoped3A_495 : memref<!tpu.dma_semaphore, #tpu.memory_space<semaphore_mem>>)
        %dma_wait3A_508 = arith.constant 0 : i32
        %dma_wait3A_509 = arith.constant 0 : i32
        %dma_wait3A_510 = tpu.memref_slice %arg8[%run_scoped3A_363, %dma_wait3A_508, %dma_wait3A_509] : memref<4x128x64xf32, #tpu.memory_space<vmem>> -> memref<1x125x64xf32, #tpu.memory_space<vmem>>
        %dma_wait3A_511 = tpu.memref_squeeze %dma_wait3A_510 : memref<1x125x64xf32, #tpu.memory_space<vmem>> -> memref<125x64xf32, #tpu.memory_space<vmem>>
        %dma_wait3A_512 = arith.constant 0 : i32
        %dma_wait3A_513 = tpu.memref_slice %arg10[%add3A_343, %dma_wait3A_512] : memref<10064x64xf32, #tpu.memory_space<vmem_shared>> -> memref<125x64xf32, #tpu.memory_space<vmem_shared>>
        %dma_wait3A_514 = arith.constant 0 : i32
        %dma_wait3A_515 = arith.constant 0 : i32
        %dma_wait3A_516 = tpu.memref_slice %arg8[%run_scoped3A_363, %dma_wait3A_514, %dma_wait3A_515] : memref<4x128x64xf32, #tpu.memory_space<vmem>> -> memref<1x125x64xf32, #tpu.memory_space<vmem>>
        %dma_wait3A_517 = tpu.memref_squeeze %dma_wait3A_516 : memref<1x125x64xf32, #tpu.memory_space<vmem>> -> memref<125x64xf32, #tpu.memory_space<vmem>>
        %dma_wait3A_518 = arith.constant 0 : i32
        %dma_wait3A_519 = tpu.memref_slice %arg10[%add3A_343, %dma_wait3A_518] : memref<10064x64xf32, #tpu.memory_space<vmem_shared>> -> memref<125x64xf32, #tpu.memory_space<vmem_shared>>
        tpu.wait_dma2 semaphore(%run_scoped3A_495 : memref<!tpu.dma_semaphore, #tpu.memory_space<semaphore_mem>>) src(%dma_wait3A_519 : memref<125x64xf32, #tpu.memory_space<vmem_shared>>) dst(%dma_wait3A_517 : memref<125x64xf32, #tpu.memory_space<vmem>>)
        tpu.yield
      }) : () -> ()
      %dma_start3A_364 = arith.constant 1 : i32
      %dma_start3A_365 = arith.constant 0 : i32
      %dma_start3A_366 = arith.constant 0 : i32
      %dma_start3A_367 = tpu.memref_slice %arg8[%dma_start3A_364, %dma_start3A_365, %dma_start3A_366] : memref<4x128x64xf32, #tpu.memory_space<vmem>> -> memref<1x125x64xf32, #tpu.memory_space<vmem>>
      %dma_start3A_368 = tpu.memref_squeeze %dma_start3A_367 : memref<1x125x64xf32, #tpu.memory_space<vmem>> -> memref<125x64xf32, #tpu.memory_space<vmem>>
      %dma_start3A_369 = arith.constant 0 : i32
      %dma_start3A_370 = tpu.memref_slice %arg5[%arg0, %add3A_343, %dma_start3A_369] : memref<2x10000x64xf32, #tpu.memory_space<hbm>> -> memref<1x125x64xf32, #tpu.memory_space<hbm>>
      %dma_start3A_371 = tpu.memref_squeeze %dma_start3A_370 : memref<1x125x64xf32, #tpu.memory_space<hbm>> -> memref<125x64xf32, #tpu.memory_space<hbm>>
      %dma_start3A_372 = arith.constant 0 : i32
      %dma_start3A_373 = tpu.memref_slice %arg5[%arg0, %add3A_343, %dma_start3A_372] : memref<2x10000x64xf32, #tpu.memory_space<hbm>> -> memref<1x125x64xf32, #tpu.memory_space<hbm>>
      %dma_start3A_374 = tpu.memref_squeeze %dma_start3A_373 : memref<1x125x64xf32, #tpu.memory_space<hbm>> -> memref<125x64xf32, #tpu.memory_space<hbm>>
      %dma_start3A_375 = arith.constant 0 : i32
      %dma_start3A_376 = arith.constant 0 : i32
      %dma_start3A_377 = tpu.memref_slice %arg8[%dma_start3A_364, %dma_start3A_375, %dma_start3A_376] : memref<4x128x64xf32, #tpu.memory_space<vmem>> -> memref<1x125x64xf32, #tpu.memory_space<vmem>>
      %dma_start3A_378 = tpu.memref_squeeze %dma_start3A_377 : memref<1x125x64xf32, #tpu.memory_space<vmem>> -> memref<125x64xf32, #tpu.memory_space<vmem>>
      tpu.enqueue_dma source(%dma_start3A_378 : memref<125x64xf32, #tpu.memory_space<vmem>>) target(%dma_start3A_374 : memref<125x64xf32, #tpu.memory_space<hbm>>) target_semaphore(%arg15 : memref<!tpu.dma_semaphore, #tpu.memory_space<semaphore_mem>>)
      %mul3A_379 = arith.constant 1000 : i32
      %mul3A_380 = arith.muli %arg1, %mul3A_379 : i32
      %add3A_381 = arith.constant 750 : i32
      %add3A_382 = arith.addi %mul3A_380, %add3A_381 : i32
      %mul3A_383 = arith.constant 1000 : i32
      %mul3A_384 = arith.muli %arg1, %mul3A_383 : i32
      %add3A_385 = arith.constant 500 : i32
      %add3A_386 = arith.addi %mul3A_384, %add3A_385 : i32
      %dma_wait3A_387 = arith.constant 0 : i32
      %dma_wait3A_388 = arith.constant 0 : i32
      %dma_wait3A_389 = arith.constant 0 : i32
      %dma_wait3A_390 = tpu.memref_slice %arg8[%dma_wait3A_387, %dma_wait3A_388, %dma_wait3A_389] : memref<4x128x64xf32, #tpu.memory_space<vmem>> -> memref<1x125x64xf32, #tpu.memory_space<vmem>>
      %dma_wait3A_391 = tpu.memref_squeeze %dma_wait3A_390 : memref<1x125x64xf32, #tpu.memory_space<vmem>> -> memref<125x64xf32, #tpu.memory_space<vmem>>
      %dma_wait3A_392 = arith.constant 0 : i32
      %dma_wait3A_393 = tpu.memref_slice %arg5[%arg0, %add3A_386, %dma_wait3A_392] : memref<2x10000x64xf32, #tpu.memory_space<hbm>> -> memref<1x125x64xf32, #tpu.memory_space<hbm>>
      %dma_wait3A_394 = tpu.memref_squeeze %dma_wait3A_393 : memref<1x125x64xf32, #tpu.memory_space<hbm>> -> memref<125x64xf32, #tpu.memory_space<hbm>>
      %dma_wait3A_395 = arith.constant 0 : i32
      %dma_wait3A_396 = tpu.memref_slice %arg5[%arg0, %add3A_386, %dma_wait3A_395] : memref<2x10000x64xf32, #tpu.memory_space<hbm>> -> memref<1x125x64xf32, #tpu.memory_space<hbm>>
      %dma_wait3A_397 = tpu.memref_squeeze %dma_wait3A_396 : memref<1x125x64xf32, #tpu.memory_space<hbm>> -> memref<125x64xf32, #tpu.memory_space<hbm>>
      %dma_wait3A_398 = arith.constant 0 : i32
      %dma_wait3A_399 = arith.constant 0 : i32
      %dma_wait3A_400 = tpu.memref_slice %arg8[%dma_wait3A_387, %dma_wait3A_398, %dma_wait3A_399] : memref<4x128x64xf32, #tpu.memory_space<vmem>> -> memref<1x125x64xf32, #tpu.memory_space<vmem>>
      %dma_wait3A_401 = tpu.memref_squeeze %dma_wait3A_400 : memref<1x125x64xf32, #tpu.memory_space<vmem>> -> memref<125x64xf32, #tpu.memory_space<vmem>>
      tpu.wait_dma2 semaphore(%arg15 : memref<!tpu.dma_semaphore, #tpu.memory_space<semaphore_mem>>) src(%dma_wait3A_401 : memref<125x64xf32, #tpu.memory_space<vmem>>) dst(%dma_wait3A_397 : memref<125x64xf32, #tpu.memory_space<hbm>>)
      %run_scoped3A_402 = arith.constant 0 : i32
      "tpu.region"() ({
        %run_scoped3A_495 = tpu.sem_alloc : memref<!tpu.dma_semaphore, #tpu.memory_space<semaphore_mem>>
        %dma_start3A_496 = arith.constant 0 : i32
        %dma_start3A_497 = arith.constant 0 : i32
        %dma_start3A_498 = tpu.memref_slice %arg8[%run_scoped3A_402, %dma_start3A_496, %dma_start3A_497] : memref<4x128x64xf32, #tpu.memory_space<vmem>> -> memref<1x125x64xf32, #tpu.memory_space<vmem>>
        %dma_start3A_499 = tpu.memref_squeeze %dma_start3A_498 : memref<1x125x64xf32, #tpu.memory_space<vmem>> -> memref<125x64xf32, #tpu.memory_space<vmem>>
        %dma_start3A_500 = arith.constant 0 : i32
        %dma_start3A_501 = tpu.memref_slice %arg10[%add3A_382, %dma_start3A_500] : memref<10064x64xf32, #tpu.memory_space<vmem_shared>> -> memref<125x64xf32, #tpu.memory_space<vmem_shared>>
        %dma_start3A_502 = arith.constant 0 : i32
        %dma_start3A_503 = arith.constant 0 : i32
        %dma_start3A_504 = tpu.memref_slice %arg8[%run_scoped3A_402, %dma_start3A_502, %dma_start3A_503] : memref<4x128x64xf32, #tpu.memory_space<vmem>> -> memref<1x125x64xf32, #tpu.memory_space<vmem>>
        %dma_start3A_505 = tpu.memref_squeeze %dma_start3A_504 : memref<1x125x64xf32, #tpu.memory_space<vmem>> -> memref<125x64xf32, #tpu.memory_space<vmem>>
        %dma_start3A_506 = arith.constant 0 : i32
        %dma_start3A_507 = tpu.memref_slice %arg10[%add3A_382, %dma_start3A_506] : memref<10064x64xf32, #tpu.memory_space<vmem_shared>> -> memref<125x64xf32, #tpu.memory_space<vmem_shared>>
        tpu.enqueue_dma source(%dma_start3A_507 : memref<125x64xf32, #tpu.memory_space<vmem_shared>>) target(%dma_start3A_505 : memref<125x64xf32, #tpu.memory_space<vmem>>) target_semaphore(%run_scoped3A_495 : memref<!tpu.dma_semaphore, #tpu.memory_space<semaphore_mem>>)
        %dma_wait3A_508 = arith.constant 0 : i32
        %dma_wait3A_509 = arith.constant 0 : i32
        %dma_wait3A_510 = tpu.memref_slice %arg8[%run_scoped3A_402, %dma_wait3A_508, %dma_wait3A_509] : memref<4x128x64xf32, #tpu.memory_space<vmem>> -> memref<1x125x64xf32, #tpu.memory_space<vmem>>
        %dma_wait3A_511 = tpu.memref_squeeze %dma_wait3A_510 : memref<1x125x64xf32, #tpu.memory_space<vmem>> -> memref<125x64xf32, #tpu.memory_space<vmem>>
        %dma_wait3A_512 = arith.constant 0 : i32
        %dma_wait3A_513 = tpu.memref_slice %arg10[%add3A_382, %dma_wait3A_512] : memref<10064x64xf32, #tpu.memory_space<vmem_shared>> -> memref<125x64xf32, #tpu.memory_space<vmem_shared>>
        %dma_wait3A_514 = arith.constant 0 : i32
        %dma_wait3A_515 = arith.constant 0 : i32
        %dma_wait3A_516 = tpu.memref_slice %arg8[%run_scoped3A_402, %dma_wait3A_514, %dma_wait3A_515] : memref<4x128x64xf32, #tpu.memory_space<vmem>> -> memref<1x125x64xf32, #tpu.memory_space<vmem>>
        %dma_wait3A_517 = tpu.memref_squeeze %dma_wait3A_516 : memref<1x125x64xf32, #tpu.memory_space<vmem>> -> memref<125x64xf32, #tpu.memory_space<vmem>>
        %dma_wait3A_518 = arith.constant 0 : i32
        %dma_wait3A_519 = tpu.memref_slice %arg10[%add3A_382, %dma_wait3A_518] : memref<10064x64xf32, #tpu.memory_space<vmem_shared>> -> memref<125x64xf32, #tpu.memory_space<vmem_shared>>
        tpu.wait_dma2 semaphore(%run_scoped3A_495 : memref<!tpu.dma_semaphore, #tpu.memory_space<semaphore_mem>>) src(%dma_wait3A_519 : memref<125x64xf32, #tpu.memory_space<vmem_shared>>) dst(%dma_wait3A_517 : memref<125x64xf32, #tpu.memory_space<vmem>>)
        tpu.yield
      }) : () -> ()
      %dma_start3A_403 = arith.constant 0 : i32
      %dma_start3A_404 = arith.constant 0 : i32
      %dma_start3A_405 = arith.constant 0 : i32
      %dma_start3A_406 = tpu.memref_slice %arg8[%dma_start3A_403, %dma_start3A_404, %dma_start3A_405] : memref<4x128x64xf32, #tpu.memory_space<vmem>> -> memref<1x125x64xf32, #tpu.memory_space<vmem>>
      %dma_start3A_407 = tpu.memref_squeeze %dma_start3A_406 : memref<1x125x64xf32, #tpu.memory_space<vmem>> -> memref<125x64xf32, #tpu.memory_space<vmem>>
      %dma_start3A_408 = arith.constant 0 : i32
      %dma_start3A_409 = tpu.memref_slice %arg5[%arg0, %add3A_382, %dma_start3A_408] : memref<2x10000x64xf32, #tpu.memory_space<hbm>> -> memref<1x125x64xf32, #tpu.memory_space<hbm>>
      %dma_start3A_410 = tpu.memref_squeeze %dma_start3A_409 : memref<1x125x64xf32, #tpu.memory_space<hbm>> -> memref<125x64xf32, #tpu.memory_space<hbm>>
      %dma_start3A_411 = arith.constant 0 : i32
      %dma_start3A_412 = tpu.memref_slice %arg5[%arg0, %add3A_382, %dma_start3A_411] : memref<2x10000x64xf32, #tpu.memory_space<hbm>> -> memref<1x125x64xf32, #tpu.memory_space<hbm>>
      %dma_start3A_413 = tpu.memref_squeeze %dma_start3A_412 : memref<1x125x64xf32, #tpu.memory_space<hbm>> -> memref<125x64xf32, #tpu.memory_space<hbm>>
      %dma_start3A_414 = arith.constant 0 : i32
      %dma_start3A_415 = arith.constant 0 : i32
      %dma_start3A_416 = tpu.memref_slice %arg8[%dma_start3A_403, %dma_start3A_414, %dma_start3A_415] : memref<4x128x64xf32, #tpu.memory_space<vmem>> -> memref<1x125x64xf32, #tpu.memory_space<vmem>>
      %dma_start3A_417 = tpu.memref_squeeze %dma_start3A_416 : memref<1x125x64xf32, #tpu.memory_space<vmem>> -> memref<125x64xf32, #tpu.memory_space<vmem>>
      tpu.enqueue_dma source(%dma_start3A_417 : memref<125x64xf32, #tpu.memory_space<vmem>>) target(%dma_start3A_413 : memref<125x64xf32, #tpu.memory_space<hbm>>) target_semaphore(%arg15 : memref<!tpu.dma_semaphore, #tpu.memory_space<semaphore_mem>>)
      %mul3A_418 = arith.constant 1000 : i32
      %mul3A_419 = arith.muli %arg1, %mul3A_418 : i32
      %add3A_420 = arith.constant 875 : i32
      %add3A_421 = arith.addi %mul3A_419, %add3A_420 : i32
      %mul3A_422 = arith.constant 1000 : i32
      %mul3A_423 = arith.muli %arg1, %mul3A_422 : i32
      %add3A_424 = arith.constant 625 : i32
      %add3A_425 = arith.addi %mul3A_423, %add3A_424 : i32
      %dma_wait3A_426 = arith.constant 1 : i32
      %dma_wait3A_427 = arith.constant 0 : i32
      %dma_wait3A_428 = arith.constant 0 : i32
      %dma_wait3A_429 = tpu.memref_slice %arg8[%dma_wait3A_426, %dma_wait3A_427, %dma_wait3A_428] : memref<4x128x64xf32, #tpu.memory_space<vmem>> -> memref<1x125x64xf32, #tpu.memory_space<vmem>>
      %dma_wait3A_430 = tpu.memref_squeeze %dma_wait3A_429 : memref<1x125x64xf32, #tpu.memory_space<vmem>> -> memref<125x64xf32, #tpu.memory_space<vmem>>
      %dma_wait3A_431 = arith.constant 0 : i32
      %dma_wait3A_432 = tpu.memref_slice %arg5[%arg0, %add3A_425, %dma_wait3A_431] : memref<2x10000x64xf32, #tpu.memory_space<hbm>> -> memref<1x125x64xf32, #tpu.memory_space<hbm>>
      %dma_wait3A_433 = tpu.memref_squeeze %dma_wait3A_432 : memref<1x125x64xf32, #tpu.memory_space<hbm>> -> memref<125x64xf32, #tpu.memory_space<hbm>>
      %dma_wait3A_434 = arith.constant 0 : i32
      %dma_wait3A_435 = tpu.memref_slice %arg5[%arg0, %add3A_425, %dma_wait3A_434] : memref<2x10000x64xf32, #tpu.memory_space<hbm>> -> memref<1x125x64xf32, #tpu.memory_space<hbm>>
      %dma_wait3A_436 = tpu.memref_squeeze %dma_wait3A_435 : memref<1x125x64xf32, #tpu.memory_space<hbm>> -> memref<125x64xf32, #tpu.memory_space<hbm>>
      %dma_wait3A_437 = arith.constant 0 : i32
      %dma_wait3A_438 = arith.constant 0 : i32
      %dma_wait3A_439 = tpu.memref_slice %arg8[%dma_wait3A_426, %dma_wait3A_437, %dma_wait3A_438] : memref<4x128x64xf32, #tpu.memory_space<vmem>> -> memref<1x125x64xf32, #tpu.memory_space<vmem>>
      %dma_wait3A_440 = tpu.memref_squeeze %dma_wait3A_439 : memref<1x125x64xf32, #tpu.memory_space<vmem>> -> memref<125x64xf32, #tpu.memory_space<vmem>>
      tpu.wait_dma2 semaphore(%arg15 : memref<!tpu.dma_semaphore, #tpu.memory_space<semaphore_mem>>) src(%dma_wait3A_440 : memref<125x64xf32, #tpu.memory_space<vmem>>) dst(%dma_wait3A_436 : memref<125x64xf32, #tpu.memory_space<hbm>>)
      %run_scoped3A_441 = arith.constant 1 : i32
      "tpu.region"() ({
        %run_scoped3A_495 = tpu.sem_alloc : memref<!tpu.dma_semaphore, #tpu.memory_space<semaphore_mem>>
        %dma_start3A_496 = arith.constant 0 : i32
        %dma_start3A_497 = arith.constant 0 : i32
        %dma_start3A_498 = tpu.memref_slice %arg8[%run_scoped3A_441, %dma_start3A_496, %dma_start3A_497] : memref<4x128x64xf32, #tpu.memory_space<vmem>> -> memref<1x125x64xf32, #tpu.memory_space<vmem>>
        %dma_start3A_499 = tpu.memref_squeeze %dma_start3A_498 : memref<1x125x64xf32, #tpu.memory_space<vmem>> -> memref<125x64xf32, #tpu.memory_space<vmem>>
        %dma_start3A_500 = arith.constant 0 : i32
        %dma_start3A_501 = tpu.memref_slice %arg10[%add3A_421, %dma_start3A_500] : memref<10064x64xf32, #tpu.memory_space<vmem_shared>> -> memref<125x64xf32, #tpu.memory_space<vmem_shared>>
        %dma_start3A_502 = arith.constant 0 : i32
        %dma_start3A_503 = arith.constant 0 : i32
        %dma_start3A_504 = tpu.memref_slice %arg8[%run_scoped3A_441, %dma_start3A_502, %dma_start3A_503] : memref<4x128x64xf32, #tpu.memory_space<vmem>> -> memref<1x125x64xf32, #tpu.memory_space<vmem>>
        %dma_start3A_505 = tpu.memref_squeeze %dma_start3A_504 : memref<1x125x64xf32, #tpu.memory_space<vmem>> -> memref<125x64xf32, #tpu.memory_space<vmem>>
        %dma_start3A_506 = arith.constant 0 : i32
        %dma_start3A_507 = tpu.memref_slice %arg10[%add3A_421, %dma_start3A_506] : memref<10064x64xf32, #tpu.memory_space<vmem_shared>> -> memref<125x64xf32, #tpu.memory_space<vmem_shared>>
        tpu.enqueue_dma source(%dma_start3A_507 : memref<125x64xf32, #tpu.memory_space<vmem_shared>>) target(%dma_start3A_505 : memref<125x64xf32, #tpu.memory_space<vmem>>) target_semaphore(%run_scoped3A_495 : memref<!tpu.dma_semaphore, #tpu.memory_space<semaphore_mem>>)
        %dma_wait3A_508 = arith.constant 0 : i32
        %dma_wait3A_509 = arith.constant 0 : i32
        %dma_wait3A_510 = tpu.memref_slice %arg8[%run_scoped3A_441, %dma_wait3A_508, %dma_wait3A_509] : memref<4x128x64xf32, #tpu.memory_space<vmem>> -> memref<1x125x64xf32, #tpu.memory_space<vmem>>
        %dma_wait3A_511 = tpu.memref_squeeze %dma_wait3A_510 : memref<1x125x64xf32, #tpu.memory_space<vmem>> -> memref<125x64xf32, #tpu.memory_space<vmem>>
        %dma_wait3A_512 = arith.constant 0 : i32
        %dma_wait3A_513 = tpu.memref_slice %arg10[%add3A_421, %dma_wait3A_512] : memref<10064x64xf32, #tpu.memory_space<vmem_shared>> -> memref<125x64xf32, #tpu.memory_space<vmem_shared>>
        %dma_wait3A_514 = arith.constant 0 : i32
        %dma_wait3A_515 = arith.constant 0 : i32
        %dma_wait3A_516 = tpu.memref_slice %arg8[%run_scoped3A_441, %dma_wait3A_514, %dma_wait3A_515] : memref<4x128x64xf32, #tpu.memory_space<vmem>> -> memref<1x125x64xf32, #tpu.memory_space<vmem>>
        %dma_wait3A_517 = tpu.memref_squeeze %dma_wait3A_516 : memref<1x125x64xf32, #tpu.memory_space<vmem>> -> memref<125x64xf32, #tpu.memory_space<vmem>>
        %dma_wait3A_518 = arith.constant 0 : i32
        %dma_wait3A_519 = tpu.memref_slice %arg10[%add3A_421, %dma_wait3A_518] : memref<10064x64xf32, #tpu.memory_space<vmem_shared>> -> memref<125x64xf32, #tpu.memory_space<vmem_shared>>
        tpu.wait_dma2 semaphore(%run_scoped3A_495 : memref<!tpu.dma_semaphore, #tpu.memory_space<semaphore_mem>>) src(%dma_wait3A_519 : memref<125x64xf32, #tpu.memory_space<vmem_shared>>) dst(%dma_wait3A_517 : memref<125x64xf32, #tpu.memory_space<vmem>>)
        tpu.yield
      }) : () -> ()
      %dma_start3A_442 = arith.constant 1 : i32
      %dma_start3A_443 = arith.constant 0 : i32
      %dma_start3A_444 = arith.constant 0 : i32
      %dma_start3A_445 = tpu.memref_slice %arg8[%dma_start3A_442, %dma_start3A_443, %dma_start3A_444] : memref<4x128x64xf32, #tpu.memory_space<vmem>> -> memref<1x125x64xf32, #tpu.memory_space<vmem>>
      %dma_start3A_446 = tpu.memref_squeeze %dma_start3A_445 : memref<1x125x64xf32, #tpu.memory_space<vmem>> -> memref<125x64xf32, #tpu.memory_space<vmem>>
      %dma_start3A_447 = arith.constant 0 : i32
      %dma_start3A_448 = tpu.memref_slice %arg5[%arg0, %add3A_421, %dma_start3A_447] : memref<2x10000x64xf32, #tpu.memory_space<hbm>> -> memref<1x125x64xf32, #tpu.memory_space<hbm>>
      %dma_start3A_449 = tpu.memref_squeeze %dma_start3A_448 : memref<1x125x64xf32, #tpu.memory_space<hbm>> -> memref<125x64xf32, #tpu.memory_space<hbm>>
      %dma_start3A_450 = arith.constant 0 : i32
      %dma_start3A_451 = tpu.memref_slice %arg5[%arg0, %add3A_421, %dma_start3A_450] : memref<2x10000x64xf32, #tpu.memory_space<hbm>> -> memref<1x125x64xf32, #tpu.memory_space<hbm>>
      %dma_start3A_452 = tpu.memref_squeeze %dma_start3A_451 : memref<1x125x64xf32, #tpu.memory_space<hbm>> -> memref<125x64xf32, #tpu.memory_space<hbm>>
      %dma_start3A_453 = arith.constant 0 : i32
      %dma_start3A_454 = arith.constant 0 : i32
      %dma_start3A_455 = tpu.memref_slice %arg8[%dma_start3A_442, %dma_start3A_453, %dma_start3A_454] : memref<4x128x64xf32, #tpu.memory_space<vmem>> -> memref<1x125x64xf32, #tpu.memory_space<vmem>>
      %dma_start3A_456 = tpu.memref_squeeze %dma_start3A_455 : memref<1x125x64xf32, #tpu.memory_space<vmem>> -> memref<125x64xf32, #tpu.memory_space<vmem>>
      tpu.enqueue_dma source(%dma_start3A_456 : memref<125x64xf32, #tpu.memory_space<vmem>>) target(%dma_start3A_452 : memref<125x64xf32, #tpu.memory_space<hbm>>) target_semaphore(%arg15 : memref<!tpu.dma_semaphore, #tpu.memory_space<semaphore_mem>>)
      %mul3A_457 = arith.constant 1000 : i32
      %mul3A_458 = arith.muli %arg1, %mul3A_457 : i32
      %add3A_459 = arith.constant 750 : i32
      %add3A_460 = arith.addi %mul3A_458, %add3A_459 : i32
      %dma_wait3A_461 = arith.constant 0 : i32
      %dma_wait3A_462 = arith.constant 0 : i32
      %dma_wait3A_463 = arith.constant 0 : i32
      %dma_wait3A_464 = tpu.memref_slice %arg8[%dma_wait3A_461, %dma_wait3A_462, %dma_wait3A_463] : memref<4x128x64xf32, #tpu.memory_space<vmem>> -> memref<1x125x64xf32, #tpu.memory_space<vmem>>
      %dma_wait3A_465 = tpu.memref_squeeze %dma_wait3A_464 : memref<1x125x64xf32, #tpu.memory_space<vmem>> -> memref<125x64xf32, #tpu.memory_space<vmem>>
      %dma_wait3A_466 = arith.constant 0 : i32
      %dma_wait3A_467 = tpu.memref_slice %arg5[%arg0, %add3A_460, %dma_wait3A_466] : memref<2x10000x64xf32, #tpu.memory_space<hbm>> -> memref<1x125x64xf32, #tpu.memory_space<hbm>>
      %dma_wait3A_468 = tpu.memref_squeeze %dma_wait3A_467 : memref<1x125x64xf32, #tpu.memory_space<hbm>> -> memref<125x64xf32, #tpu.memory_space<hbm>>
      %dma_wait3A_469 = arith.constant 0 : i32
      %dma_wait3A_470 = tpu.memref_slice %arg5[%arg0, %add3A_460, %dma_wait3A_469] : memref<2x10000x64xf32, #tpu.memory_space<hbm>> -> memref<1x125x64xf32, #tpu.memory_space<hbm>>
      %dma_wait3A_471 = tpu.memref_squeeze %dma_wait3A_470 : memref<1x125x64xf32, #tpu.memory_space<hbm>> -> memref<125x64xf32, #tpu.memory_space<hbm>>
      %dma_wait3A_472 = arith.constant 0 : i32
      %dma_wait3A_473 = arith.constant 0 : i32
      %dma_wait3A_474 = tpu.memref_slice %arg8[%dma_wait3A_461, %dma_wait3A_472, %dma_wait3A_473] : memref<4x128x64xf32, #tpu.memory_space<vmem>> -> memref<1x125x64xf32, #tpu.memory_space<vmem>>
      %dma_wait3A_475 = tpu.memref_squeeze %dma_wait3A_474 : memref<1x125x64xf32, #tpu.memory_space<vmem>> -> memref<125x64xf32, #tpu.memory_space<vmem>>
      tpu.wait_dma2 semaphore(%arg15 : memref<!tpu.dma_semaphore, #tpu.memory_space<semaphore_mem>>) src(%dma_wait3A_475 : memref<125x64xf32, #tpu.memory_space<vmem>>) dst(%dma_wait3A_471 : memref<125x64xf32, #tpu.memory_space<hbm>>)
      %mul3A_476 = arith.constant 1000 : i32
      %mul3A_477 = arith.muli %arg1, %mul3A_476 : i32
      %add3A_478 = arith.constant 875 : i32
      %add3A_479 = arith.addi %mul3A_477, %add3A_478 : i32
      %dma_wait3A_480 = arith.constant 1 : i32
      %dma_wait3A_481 = arith.constant 0 : i32
      %dma_wait3A_482 = arith.constant 0 : i32
      %dma_wait3A_483 = tpu.memref_slice %arg8[%dma_wait3A_480, %dma_wait3A_481, %dma_wait3A_482] : memref<4x128x64xf32, #tpu.memory_space<vmem>> -> memref<1x125x64xf32, #tpu.memory_space<vmem>>
      %dma_wait3A_484 = tpu.memref_squeeze %dma_wait3A_483 : memref<1x125x64xf32, #tpu.memory_space<vmem>> -> memref<125x64xf32, #tpu.memory_space<vmem>>
      %dma_wait3A_485 = arith.constant 0 : i32
      %dma_wait3A_486 = tpu.memref_slice %arg5[%arg0, %add3A_479, %dma_wait3A_485] : memref<2x10000x64xf32, #tpu.memory_space<hbm>> -> memref<1x125x64xf32, #tpu.memory_space<hbm>>
      %dma_wait3A_487 = tpu.memref_squeeze %dma_wait3A_486 : memref<1x125x64xf32, #tpu.memory_space<hbm>> -> memref<125x64xf32, #tpu.memory_space<hbm>>
      %dma_wait3A_488 = arith.constant 0 : i32
      %dma_wait3A_489 = tpu.memref_slice %arg5[%arg0, %add3A_479, %dma_wait3A_488] : memref<2x10000x64xf32, #tpu.memory_space<hbm>> -> memref<1x125x64xf32, #tpu.memory_space<hbm>>
      %dma_wait3A_490 = tpu.memref_squeeze %dma_wait3A_489 : memref<1x125x64xf32, #tpu.memory_space<hbm>> -> memref<125x64xf32, #tpu.memory_space<hbm>>
      %dma_wait3A_491 = arith.constant 0 : i32
      %dma_wait3A_492 = arith.constant 0 : i32
      %dma_wait3A_493 = tpu.memref_slice %arg8[%dma_wait3A_480, %dma_wait3A_491, %dma_wait3A_492] : memref<4x128x64xf32, #tpu.memory_space<vmem>> -> memref<1x125x64xf32, #tpu.memory_space<vmem>>
      %dma_wait3A_494 = tpu.memref_squeeze %dma_wait3A_493 : memref<1x125x64xf32, #tpu.memory_space<vmem>> -> memref<125x64xf32, #tpu.memory_space<vmem>>
      tpu.wait_dma2 semaphore(%arg15 : memref<!tpu.dma_semaphore, #tpu.memory_space<semaphore_mem>>) src(%dma_wait3A_494 : memref<125x64xf32, #tpu.memory_space<vmem>>) dst(%dma_wait3A_490 : memref<125x64xf32, #tpu.memory_space<hbm>>)
    } else {
    }
    return
  }
}

module attributes {stable_mosaic.version = 14 : i64} {
  func.func @prep(%arg0: memref<2x10000xf32, #tpu.memory_space<vmem>>, %arg1: memref<10000x128xf32, #tpu.memory_space<vmem>>, %arg2: memref<128x128xf32, #tpu.memory_space<vmem>>, %arg3: memref<2x10000x64xf32, #tpu.memory_space<vmem>>, %arg4: memref<10000xf32, #tpu.memory_space<vmem>>) attributes {dimension_semantics = [], scalar_prefetch = 0 : i64, scratch_operands = 0 : i64, tpu.core_type = #tpu.core_type<tc>} {
    %get3A = arith.constant 0 : index
    %get3A_0 = arith.constant 0 : index
    %get3A_1 = vector.load %arg0[%get3A, %get3A_0] : memref<2x10000xf32, #tpu.memory_space<vmem>>, vector<1x10000xf32>
    %get3A_2 = vector.shape_cast %get3A_1 : vector<1x10000xf32> to vector<10000xf32>
    %get3A_3 = arith.constant 1 : index
    %get3A_4 = arith.constant 0 : index
    %get3A_5 = vector.load %arg0[%get3A_3, %get3A_4] : memref<2x10000xf32, #tpu.memory_space<vmem>>, vector<1x10000xf32>
    %get3A_6 = vector.shape_cast %get3A_5 : vector<1x10000xf32> to vector<10000xf32>
    %add3A = arith.addf %get3A_2, %get3A_6 : vector<10000xf32>
    %add3A_7 = arith.constant 1.000000e+00 : f32
    %add3A_8 = vector.broadcast %add3A_7 : f32 to vector<10000xf32>
    %add3A_9 = arith.addf %add3A, %add3A_8 : vector<10000xf32>
    %rsqrt3A = math.rsqrt %add3A_9 : vector<10000xf32>
    %get3A_10 = arith.constant 0 : index
    %get3A_11 = arith.constant 0 : index
    %get3A_12 = vector.load %arg1[%get3A_10, %get3A_11] : memref<10000x128xf32, #tpu.memory_space<vmem>>, vector<10000x128xf32>
    %get3A_13 = arith.constant 0 : index
    %get3A_14 = arith.constant 0 : index
    %get3A_15 = vector.load %arg2[%get3A_13, %get3A_14] : memref<128x128xf32, #tpu.memory_space<vmem>>, vector<128x128xf32>
    %dot_general3A = arith.constant dense<0.000000e+00> : vector<10000x128xf32>
    %dot_general3A_16 = tpu.matmul %get3A_12, %get3A_15, %dot_general3A {dimension_numbers = #tpu.dot_dimension_numbers<[1], [0], [0], [1], [0, 0, 1, 1], [], []>, transpose_lhs_hint = false} : vector<10000x128xf32>, vector<128x128xf32>, vector<10000x128xf32> -> vector<10000x128xf32>
    %broadcast_in_dim3A = vector.shape_cast %rsqrt3A : vector<10000xf32> to vector<10000x1xf32>
    %mul3A = vector.broadcast %broadcast_in_dim3A : vector<10000x1xf32> to vector<10000x128xf32>
    %mul3A_17 = arith.mulf %dot_general3A_16, %mul3A : vector<10000x128xf32>
    %slice3A = vector.extract_strided_slice %mul3A_17 {offsets = [0, 0], sizes = [10000, 64], strides = [1, 1]} : vector<10000x128xf32> to vector<10000x64xf32>
    %swap3A = arith.constant 0 : index
    %swap3A_18 = arith.constant 0 : index
    %swap3A_19 = arith.constant 0 : index
    %swap3A_20 = vector.load %arg3[%swap3A, %swap3A_18, %swap3A_19] : memref<2x10000x64xf32, #tpu.memory_space<vmem>>, vector<1x10000x64xf32>
    %swap3A_21 = vector.shape_cast %swap3A_20 : vector<1x10000x64xf32> to vector<10000x64xf32>
    %swap3A_22 = vector.shape_cast %slice3A : vector<10000x64xf32> to vector<1x10000x64xf32>
    tpu.vector_store %arg3[%swap3A, %swap3A_18, %swap3A_19], %swap3A_22 {strides = array<i32>} : memref<2x10000x64xf32, #tpu.memory_space<vmem>>, vector<1x10000x64xf32>,
    %slice3A_23 = vector.extract_strided_slice %mul3A_17 {offsets = [0, 64], sizes = [10000, 64], strides = [1, 1]} : vector<10000x128xf32> to vector<10000x64xf32>
    %swap3A_24 = arith.constant 1 : index
    %swap3A_25 = arith.constant 0 : index
    %swap3A_26 = arith.constant 0 : index
    %swap3A_27 = vector.load %arg3[%swap3A_24, %swap3A_25, %swap3A_26] : memref<2x10000x64xf32, #tpu.memory_space<vmem>>, vector<1x10000x64xf32>
    %swap3A_28 = vector.shape_cast %swap3A_27 : vector<1x10000x64xf32> to vector<10000x64xf32>
    %swap3A_29 = vector.shape_cast %slice3A_23 : vector<10000x64xf32> to vector<1x10000x64xf32>
    tpu.vector_store %arg3[%swap3A_24, %swap3A_25, %swap3A_26], %swap3A_29 {strides = array<i32>} : memref<2x10000x64xf32, #tpu.memory_space<vmem>>, vector<1x10000x64xf32>,
    %swap3A_30 = arith.constant 0 : index
    %swap3A_31 = vector.load %arg4[%swap3A_30] : memref<10000xf32, #tpu.memory_space<vmem>>, vector<10000xf32>
    tpu.vector_store %arg4[%swap3A_30], %rsqrt3A {strides = array<i32>} : memref<10000xf32, #tpu.memory_space<vmem>>, vector<10000xf32>,
    return
  }
}

module attributes {stable_mosaic.version = 14 : i64} {
  func.func @fin(%arg0: memref<2x10000x64xf32, #tpu.memory_space<vmem>>, %arg1: memref<10000xf32, #tpu.memory_space<vmem>>, %arg2: memref<10000x128xf32, #tpu.memory_space<vmem>>, %arg3: memref<128xf32, #tpu.memory_space<vmem>>, %arg4: memref<128x32xf32, #tpu.memory_space<vmem>>, %arg5: memref<32xf32, #tpu.memory_space<vmem>>, %arg6: memref<32x32xf32, #tpu.memory_space<vmem>>, %arg7: memref<32xf32, #tpu.memory_space<vmem>>, %arg8: memref<1x32xf32, #tpu.memory_space<vmem>>, %arg9: memref<1xf32, #tpu.memory_space<vmem>>, %arg10: memref<10000xf32, #tpu.memory_space<vmem>>) attributes {dimension_semantics = [], scalar_prefetch = 0 : i64, scratch_operands = 0 : i64, tpu.core_type = #tpu.core_type<tc>} {
    %get3A = arith.constant 0 : index
    %get3A_0 = arith.constant 0 : index
    %get3A_1 = arith.constant 0 : index
    %get3A_2 = vector.load %arg0[%get3A, %get3A_0, %get3A_1] : memref<2x10000x64xf32, #tpu.memory_space<vmem>>, vector<1x10000x64xf32>
    %get3A_3 = vector.shape_cast %get3A_2 : vector<1x10000x64xf32> to vector<10000x64xf32>
    %get3A_4 = arith.constant 1 : index
    %get3A_5 = arith.constant 0 : index
    %get3A_6 = arith.constant 0 : index
    %get3A_7 = vector.load %arg0[%get3A_4, %get3A_5, %get3A_6] : memref<2x10000x64xf32, #tpu.memory_space<vmem>>, vector<1x10000x64xf32>
    %get3A_8 = vector.shape_cast %get3A_7 : vector<1x10000x64xf32> to vector<10000x64xf32>
    %concatenate3A = tpu.concatenate %get3A_3, %get3A_8 in 1 : vector<10000x64xf32>, vector<10000x64xf32> -> vector<10000x128xf32>
    %get3A_9 = arith.constant 0 : index
    %get3A_10 = vector.load %arg1[%get3A_9] : memref<10000xf32, #tpu.memory_space<vmem>>, vector<10000xf32>
    %broadcast_in_dim3A = vector.shape_cast %get3A_10 : vector<10000xf32> to vector<10000x1xf32>
    %mul3A = vector.broadcast %broadcast_in_dim3A : vector<10000x1xf32> to vector<10000x128xf32>
    %mul3A_11 = arith.mulf %concatenate3A, %mul3A : vector<10000x128xf32>
    %get3A_12 = arith.constant 0 : index
    %get3A_13 = vector.load %arg3[%get3A_12] : memref<128xf32, #tpu.memory_space<vmem>>, vector<128xf32>
    %broadcast_in_dim3A_14 = vector.shape_cast %get3A_13 : vector<128xf32> to vector<1x128xf32>
    %add3A = vector.broadcast %broadcast_in_dim3A_14 : vector<1x128xf32> to vector<10000x128xf32>
    %add3A_15 = arith.addf %mul3A_11, %add3A : vector<10000x128xf32>
    %max3A = arith.constant 0.000000e+00 : f32
    %max3A_16 = vector.broadcast %max3A : f32 to vector<10000x128xf32>
    %max3A_17 = arith.maximumf %add3A_15, %max3A_16 : vector<10000x128xf32>
    %get3A_18 = arith.constant 0 : index
    %get3A_19 = arith.constant 0 : index
    %get3A_20 = vector.load %arg2[%get3A_18, %get3A_19] : memref<10000x128xf32, #tpu.memory_space<vmem>>, vector<10000x128xf32>
    %add3A_21 = arith.addf %max3A_17, %get3A_20 : vector<10000x128xf32>
    %get3A_22 = arith.constant 0 : index
    %get3A_23 = arith.constant 0 : index
    %get3A_24 = vector.load %arg4[%get3A_22, %get3A_23] : memref<128x32xf32, #tpu.memory_space<vmem>>, vector<128x32xf32>
    %dot_general3A = arith.constant dense<0.000000e+00> : vector<10000x32xf32>
    %dot_general3A_25 = tpu.matmul %add3A_21, %get3A_24, %dot_general3A {dimension_numbers = #tpu.dot_dimension_numbers<[1], [0], [0], [1], [0, 0, 1, 1], [], []>, transpose_lhs_hint = false} : vector<10000x128xf32>, vector<128x32xf32>, vector<10000x32xf32> -> vector<10000x32xf32>
    %get3A_26 = arith.constant 0 : index
    %get3A_27 = vector.load %arg5[%get3A_26] : memref<32xf32, #tpu.memory_space<vmem>>, vector<32xf32>
    %broadcast_in_dim3A_28 = vector.shape_cast %get3A_27 : vector<32xf32> to vector<1x32xf32>
    %add3A_29 = vector.broadcast %broadcast_in_dim3A_28 : vector<1x32xf32> to vector<10000x32xf32>
    %add3A_30 = arith.addf %dot_general3A_25, %add3A_29 : vector<10000x32xf32>
    %gt3A = arith.constant 0.000000e+00 : f32
    %gt3A_31 = vector.broadcast %gt3A : f32 to vector<10000x32xf32>
    %gt3A_32 = arith.cmpf ogt, %add3A_30, %gt3A_31 : vector<10000x32xf32>
    %mul3A_33 = arith.constant 0.00999999977 : f32
    %mul3A_34 = vector.broadcast %mul3A_33 : f32 to vector<10000x32xf32>
    %mul3A_35 = arith.mulf %mul3A_34, %add3A_30 : vector<10000x32xf32>
    %select_n3A = arith.select %gt3A_32, %add3A_30, %mul3A_35 : vector<10000x32xi1>, vector<10000x32xf32>
    %get3A_36 = arith.constant 0 : index
    %get3A_37 = arith.constant 0 : index
    %get3A_38 = vector.load %arg6[%get3A_36, %get3A_37] : memref<32x32xf32, #tpu.memory_space<vmem>>, vector<32x32xf32>
    %dot_general3A_39 = arith.constant dense<0.000000e+00> : vector<10000x32xf32>
    %dot_general3A_40 = tpu.matmul %select_n3A, %get3A_38, %dot_general3A_39 {dimension_numbers = #tpu.dot_dimension_numbers<[1], [0], [0], [1], [0, 0, 1, 1], [], []>, transpose_lhs_hint = false} : vector<10000x32xf32>, vector<32x32xf32>, vector<10000x32xf32> -> vector<10000x32xf32>
    %get3A_41 = arith.constant 0 : index
    %get3A_42 = vector.load %arg7[%get3A_41] : memref<32xf32, #tpu.memory_space<vmem>>, vector<32xf32>
    %broadcast_in_dim3A_43 = vector.shape_cast %get3A_42 : vector<32xf32> to vector<1x32xf32>
    %add3A_44 = vector.broadcast %broadcast_in_dim3A_43 : vector<1x32xf32> to vector<10000x32xf32>
    %add3A_45 = arith.addf %dot_general3A_40, %add3A_44 : vector<10000x32xf32>
    %gt3A_46 = arith.constant 0.000000e+00 : f32
    %gt3A_47 = vector.broadcast %gt3A_46 : f32 to vector<10000x32xf32>
    %gt3A_48 = arith.cmpf ogt, %add3A_45, %gt3A_47 : vector<10000x32xf32>
    %mul3A_49 = arith.constant 0.00999999977 : f32
    %mul3A_50 = vector.broadcast %mul3A_49 : f32 to vector<10000x32xf32>
    %mul3A_51 = arith.mulf %mul3A_50, %add3A_45 : vector<10000x32xf32>
    %select_n3A_52 = arith.select %gt3A_48, %add3A_45, %mul3A_51 : vector<10000x32xi1>, vector<10000x32xf32>
    %get3A_53 = arith.constant 0 : index
    %get3A_54 = arith.constant 0 : index
    %get3A_55 = vector.load %arg8[%get3A_53, %get3A_54] : memref<1x32xf32, #tpu.memory_space<vmem>>, vector<1x32xf32>
    %mul3A_56 = vector.broadcast %get3A_55 : vector<1x32xf32> to vector<10000x32xf32>
    %mul3A_57 = arith.mulf %select_n3A_52, %mul3A_56 : vector<10000x32xf32>
    %reduce_sum3A = arith.constant dense<0.000000e+00> : vector<10000xf32>
    %reduce_sum3A_58 = vector.multi_reduction <add>, %mul3A_57, %reduce_sum3A [1] : vector<10000x32xf32> to vector<10000xf32>
    %get3A_59 = arith.constant 0 : index
    %get3A_60 = vector.load %arg9[%get3A_59] : memref<1xf32, #tpu.memory_space<vmem>>, vector<1xf32>
    %get3A_61 = vector.extract %get3A_60[0] : f32 from vector<1xf32>
    %add3A_62 = vector.broadcast %get3A_61 : f32 to vector<10000xf32>
    %add3A_63 = arith.addf %reduce_sum3A_58, %add3A_62 : vector<10000xf32>
    %abs3A = math.absf %add3A_63 : vector<10000xf32>
    %neg3A = arith.constant 0.000000e+00 : f32
    %neg3A_64 = vector.broadcast %neg3A : f32 to vector<10000xf32>
    %neg3A_65 = arith.subf %neg3A_64, %abs3A : vector<10000xf32>
    %exp3A = math.exp %neg3A_65 : vector<10000xf32>
    %add3A_66 = arith.constant 1.000000e+00 : f32
    %add3A_67 = vector.broadcast %add3A_66 : f32 to vector<10000xf32>
    %add3A_68 = arith.addf %add3A_67, %exp3A : vector<10000xf32>
    %log3A = math.log %add3A_68 : vector<10000xf32>
    %max3A_69 = arith.constant 0.000000e+00 : f32
    %max3A_70 = vector.broadcast %max3A_69 : f32 to vector<10000xf32>
    %max3A_71 = arith.maximumf %add3A_63, %max3A_70 : vector<10000xf32>
    %add3A_72 = arith.addf %log3A, %max3A_71 : vector<10000xf32>
    %reduce_sum3A_73 = vector.shape_cast %add3A_72 : vector<10000xf32> to vector<1x10000xf32>
    %reduce_sum3A_74 = arith.constant dense<0.000000e+00> : vector<1xf32>
    %reduce_sum3A_75 = vector.multi_reduction <add>, %reduce_sum3A_73, %reduce_sum3A_74 [1] : vector<1x10000xf32> to vector<1xf32>
    %reduce_sum3A_76 = vector.shape_cast %reduce_sum3A_75 : vector<1xf32> to vector<1x1xf32>
    %reduce_sum3A_77 = vector.extract %reduce_sum3A_76[0, 0] : f32 from vector<1x1xf32>
    %add3A_78 = arith.constant 9.99999968E-21 : f32
    %add3A_79 = arith.addf %reduce_sum3A_77, %add3A_78 : f32
    %div3A = vector.broadcast %add3A_79 : f32 to vector<10000xf32>
    %div3A_80 = arith.divf %add3A_72, %div3A : vector<10000xf32>
    %swap3A = arith.constant 0 : index
    %swap3A_81 = vector.load %arg10[%swap3A] : memref<10000xf32, #tpu.memory_space<vmem>>, vector<10000xf32>
    tpu.vector_store %arg10[%swap3A], %div3A_80 {strides = array<i32>} : memref<10000xf32, #tpu.memory_space<vmem>>, vector<10000xf32>,
    return
  }
}

</mosaic_0001>

<sc_bundles>
// kernel: kernel.6.cloned.1.call-start
scs
__scs_entry_jumppad:
0x0: {  	(pc) =	sbr.rel $0x88, $3  }
0x1: {  	(tag) =	ssettag $0x0;
	lr =	simm.s32 $0x1  }
0x2: {  	[smem:$0x3F97] =	sst lr;
	_ =	strace $0xD0000000  }
0x3: {  	_ = 	snop  }
0x4: {  	_ = 	snop  }
0x5: {  	_ = 	snop  }
0x6: {  	_ = 	snop  }
0x7: {  	_ = 	snop  }
__scs_overlays_trampoline_lowered:
0x8: {  	[smem:$0x3FA6] =	sst s0  }
0x9: {  	[smem:$0x3FA7] =	sst s1  }
0xa: {  	[smem:$0x3FA8] =	sst s2  }
0xb: {  	[smem:$0x3FA9] =	sst s3  }
0xc: {  	[smem:$0x3FAA] =	sst s4  }
0xd: {  	[smem:$0x3FAB] =	sst s5  }
0xe: {  	[smem:$0x3FAC] =	sst s6  }
0xf: {  	[smem:$0x3FAD] =	sst s7  }
0x10: {  	[smem:$0x3FAE] =	sst s8  }
0x11: {  	[smem:$0x3FAF] =	sst s9;
	s0 =	simm.s32 @!p0 $0x0  }
0x12: {  	s1 =	sld [smem:$0x3F95];
	s0 =	simm.s32 @p0 $0x1  }
0x13: {  	[smem:$0x3FB0] =	sst s0;
	s0 =	simm.s32 @!p1 $0x0  }
0x14: {  	s2 =	sld [smem:$0x3F94];
	s0 =	simm.s32 @p1 $0x1  }
0x15: {  	[smem:$0x3FB1] =	sst s0;
	s0 =	simm.s32 @!p2 $0x0  }
0x16: {  	s3 =	sld [smem:$0x3FDB];
	s0 =	simm.s32 @p2 $0x1  }
0x17: {  	s4 =	simm.s32 $0x1BF5;
	[smem:$0x3FB3] =	sst s0  }
0x18: {  	s0 =	sld [smem:$0x3F96];
	_ =	swait.ge [sflag:s4], $0x0  }
0x19: {  	s7 =	sld [smem:$0x3F97]  }
0x1a: {  	s8 =	sadd.s32 $0xFFFFE003, lr  }
0x1b: {  	s9 =	sadd.s32 $0xFFFFFEF7, lr;
	s5 =	simm.s32 $0xFFFFFFFF;
	p2 =	slt.u32 s8, $0xFFFFF086  }
0x1c: {  	p1 =	slt.u32 s9, $0xF7A;
	s5 =	simm.s32 @!p2 $0x0  }
0x1d: {  	s5 =	simm.s32 @p1 $0x1;
	p0 =	seq.s32 s7, s2  }
0x1e: {  	s7 =	smul.u32 @!p0 $0xF7A, s2;
	p2 =	seq.s32 @!p0 s5, $0x0  }
0x1f: {  	s9 =	smul.u32 $0xF7A, s1;
	s8 =	simm.s32 @!p0 $0x1BF5;
	p2 =	por !p2, p0  }
0x20: {  	[sflag:s8] =	ssyncset.s32 @!p0 $0xFFFFF086;
	s6 =	sadd.s32 @!p0 s3, s7;
	s7 =	simm.s32 @!p0 $0x108  }
0x21: {  	s3 =	sadd.s32 s3, s9;
	s6 =	sadd.s32 @!p0 $0x88, s6;
	s7 =	simm.s32 @p2 $0x1082  }
0x22: {  	[simem:s7], [sflag:s8] =	dma.local @!p0 [hbm:s6], $0xF7A  }
0x23: {  	s9 =	sor.u32 $0xD0000000, s2;
	s6 =	simm.s32 $0x108;
	_ =	swait.ge @!p0 [sflag:s8], $0x0  }
0x24: {  	s3 =	sadd.s32 $0x88, s3;
	s6 =	simm.s32 @!p1 $0x1082;
	[sflag:s4] =	ssyncset.s32 $0xFFFFF086  }
0x25: {  	[simem:s6], [sflag:s4] =	dma.local [hbm:s3], $0xF7A  }
0x26: {  	[smem:$0x3F97] =	sst s1;
	(tag) =	ssettag s2;
	_ =	strace s9  }
0x27: {  	s1 =	sld [smem:$0x3FA7]  }
0x28: {  	s2 =	sld [smem:$0x3FA8]  }
0x29: {  	s4 =	sld [smem:$0x3FAA]  }
0x2a: {  	p0 =	seq.s32 s5, $0x0;
	s5 =	sld [smem:$0x3FAB]  }
0x2b: {  	s6 =	sld [smem:$0x3FAC]  }
0x2c: {  	s7 =	sld [smem:$0x3FAD]  }
0x2d: {  	s3 =	simm.s32 $0x108;
	s8 =	sld [smem:$0x3FAE]  }
0x2e: {  	s3 =	simm.s32 @!p0 $0x1082;
	s9 =	sld [smem:$0x3FAF]  }
0x2f: {  	lr =	sadd.s32 s0, s3;
	s0 =	sld [smem:$0x3FA6]  }
0x30: {  	s3 =	sld [smem:$0x3FA9]  }
0x31: {  	[smem:$0x3FB2] =	sst s10  }
0x32: {  	s10 =	sld [smem:$0x3FB0];
	_ =	sdelay $0x3  }
0x33: {  	p0 =	seq.s32 s10, $0x1;
	s10 =	sld [smem:$0x3FB2];
	_ =	sdelay $0x3  }
0x34: {  	[smem:$0x3FB2] =	sst s10  }
0x35: {  	s10 =	sld [smem:$0x3FB1];
	_ =	sdelay $0x3  }
0x36: {  	p1 =	seq.s32 s10, $0x1;
	s10 =	sld [smem:$0x3FB2];
	_ =	sdelay $0x3  }
0x37: {  	[smem:$0x3FB2] =	sst s10  }
0x38: {  	s10 =	sld [smem:$0x3FB3]  }
0x39: {  	_ = 	snop;
	(pc) =	sbr.ind lr, $3  }
0x3a: {  	_ = 	snop  }
0x3b: {  	_ = 	snop  }
0x3c: {  	p2 =	seq.s32 s10, $0x1;
	s10 =	sld [smem:$0x3FB2]  }
0x3d: {  	_ =	shalt  }
0x3e: {  	_ =	shalt  }
0x3f: {  	_ =	shalt  }
0x40: {  	_ =	shalt  }
0x41: {  	_ =	shalt  }
0x42: {  	_ =	shalt  }
0x43: {  	_ =	shalt  }
0x44: {  	_ =	shalt  }
0x45: {  	_ =	shalt  }
0x46: {  	_ =	shalt  }
0x47: {  	_ =	shalt  }
0x48: {  	_ =	shalt  }
0x49: {  	_ =	shalt  }
0x4a: {  	_ =	shalt  }
0x4b: {  	_ =	shalt  }
0x4c: {  	_ =	shalt  }
0x4d: {  	_ =	shalt  }
0x4e: {  	_ =	shalt  }
0x4f: {  	_ =	shalt  }
0x50: {  	_ =	shalt  }
0x51: {  	_ =	shalt  }
0x52: {  	_ =	shalt  }
0x53: {  	_ =	shalt  }
0x54: {  	_ =	shalt  }
0x55: {  	_ =	shalt  }
0x56: {  	_ =	shalt  }
0x57: {  	_ =	shalt  }
0x58: {  	_ =	shalt  }
0x59: {  	_ =	shalt  }
0x5a: {  	_ =	shalt  }
0x5b: {  	_ =	shalt  }
0x5c: {  	_ =	shalt  }
0x5d: {  	_ =	shalt  }
0x5e: {  	_ =	shalt  }
0x5f: {  	_ =	shalt  }
0x60: {  	_ =	shalt  }
0x61: {  	_ =	shalt  }
0x62: {  	_ =	shalt  }
0x63: {  	_ =	shalt  }
0x64: {  	_ =	shalt  }
0x65: {  	_ =	shalt  }
0x66: {  	_ =	shalt  }
0x67: {  	_ =	shalt  }
0x68: {  	_ =	shalt  }
0x69: {  	_ =	shalt  }
0x6a: {  	_ =	shalt  }
0x6b: {  	_ =	shalt  }
0x6c: {  	_ =	shalt  }
0x6d: {  	_ =	shalt  }
0x6e: {  	_ =	shalt  }
0x6f: {  	_ =	shalt  }
0x70: {  	_ =	shalt  }
0x71: {  	_ =	shalt  }
0x72: {  	_ =	shalt  }
0x73: {  	_ =	shalt  }
0x74: {  	_ =	shalt  }
0x75: {  	_ =	shalt  }
0x76: {  	_ =	shalt  }
0x77: {  	_ =	shalt  }
0x78: {  	_ =	shalt  }
0x79: {  	_ =	shalt  }
0x7a: {  	_ =	shalt  }
0x7b: {  	_ =	shalt  }
0x7c: {  	_ =	shalt  }
0x7d: {  	_ =	shalt  }
0x7e: {  	_ =	shalt  }
0x7f: {  	_ =	shalt  }
0x80: {  	_ =	shalt  }
0x81: {  	_ =	shalt  }
0x82: {  	_ =	shalt  }
0x83: {  	_ =	shalt  }
0x84: {  	_ =	shalt  }
0x85: {  	_ =	shalt  }
0x86: {  	_ =	shalt  }
0x87: {  	_ =	shalt  }
.Lfunc_end0:
.L_simem_size_0:
called_computation_lowered:
.L_overlay_start_0:
0x88: {  	s2 =	sld [smem:$0x3FD9]  }
0x89: {  	s3 =	sld [smem:$0x3FFE];
	_ =	sdelay $0x1  }
0x8a: {  	s1 =	srdreg.scid  }
0x8b: {  	s0 =	sand.u32 $0x1, s1  }
0x8c: {  	s16 =	sshll.u32 s0, $0xA;
	s2 =	sadd.s32 s3, s2  }
0x8d: {  	s2 =	sadd.s32 s2, s16  }
0x8e: {  	[smem:$0x3FBE] =	sst s2  }
0x8f: {  	_ = 	snop  }
0x90: {  	(tm) =	ssettm $0x1  }
0x91: {  	s17 =	sld [smem:$0x3FFB];
	_ =	sdelay $0x3  }
0x92: {  	_ =	strace s17  }
0x93: {  	s2 =	sld [smem:$0x3FFC];
	_ =	sdelay $0x3  }
0x94: {  	_ =	strace s2  }
0x95: {  	s2 =	sld [smem:$0x3FFD];
	_ =	sdelay $0x3  }
0x96: {  	_ =	strace s2  }
0x97: {  	_ =	strace $0x8FFFFFFF  }
0x98: {  	s18 =	sld [smem:$0x3FDB];
	_ =	sdelay $0x1  }
0x99: {  	s19 =	simm.s32 $_scs_section_size  }
0x9a: {  	s4 =	simm.s32 $_size__tile_overlayer_lowered;
	s5 =	simm.s32 $_tile_overlayer_lowered  }
0x9b: {  	s22 =	simm.s32 $0x1BFF;
	s21 =	sshll.u32 s5, $0x1;
	s2 =	sadd.s32 s19, s18  }
0x9c: {  	s6 =	simm.s32 $0x0;
	s20 =	sshll.u32 s4, $0x1;
	s4 =	sadd.s32 s21, s2  }
0x9d: {  	[timem:s6], [sflag:s22] =	dma.local [hbm:s4], s20  }
0x9e: {  	_ =	swait.ge [sflag:s22], s20  }
0x9f: {  	s3 =	ssub.s32 $0x0, s20;
	[sflag:s22] =	ssyncset.done $0x0  }
0xa0: {  	[sflag:s22] =	ssyncadd.s32 s3;
	_ =	sdelay $0x1  }
0xa1: {  	s23 =	simm.s32 $0x1B8B  }
0xa2: {  	_ =	swait.ge [sflag:s23], $0x1  }
0xa3: {  	[sflag:s23] =	ssyncset.done $0x0  }
0xa4: {  	s25 =	simm.s32 $0x1B8E;
	s24 =	sld [smem:$0x3FFE];
	[sflag:s23] =	ssyncadd.s32 $0xFFFFFFFF  }
0xa5: {  	s26 =	simm.s32 $execute0_lowered;
	[smem:$0x3FD2] =	sst s25  }
0xa6: {  	s4 =	sshll.u32 s26, $0x1;
	_ =	strace $0x80000046;
	[dreg:$0x1] =	wrdreg $0xFFFFFFFF  }
0xa7: {  	s28 =	simm.s32 $_size_execute0_lowered;
	s2 =	sadd.s32 s2, s4;
	[dreg:$0x0] =	wrdreg $0x0  }
0xa8: {  	s4 =	sshll.u32 s28, $0x1;
	[dreg:$0x2] =	wrdreg s2  }
0xa9: {  	[dreg:$0x3] =	wrdreg s4  }
0xaa: {  	[dreg:$0x4] =	wrdreg $0xC0  }
0xab: {  	_ =	task [dreg:s6], $0x5FFFF  }
0xac: {  	[dreg:$0x1] =	wrdreg $0xFFFFFFFF  }
0xad: {  	[dreg:$0x0] =	wrdreg $0x60  }
0xae: {  	[dreg:$0x2] =	wrdreg s24  }
0xaf: {  	[dreg:$0x3] =	wrdreg $0x2FD00  }
0xb0: {  	[dreg:$0x4] =	wrdreg $0x9  }
0xb1: {  	_ =	task.clear_ibuf [dreg:s6], $0x5FFFF;
	_ =	strace $0x90000046  }
0xb2: {  	s29 =	simm.s32 $0x9;
	_ =	strace $0x80000048  }
0xb3: {  	_ =	swait.ge [sflag:s29], $0x1  }
0xb4: {  	[sflag:s29] =	ssyncadd.s32 $0xFFFFFFFF  }
0xb5: {  	_ =	strace $0x90000048  }
0xb6: {  	_ =	sfence  }
0xb7: {  	s30 =	sld [smem:$0x0];
	_ =	sdelay $0x2  }
0xb8: {  	s31 =	sshll.u32 s1, $0xD;
	s1 =	sshrl.u32 s1, $0x2  }
0xb9: {  	s3 =	sand.u32 $0x4000, s31;
	s1 =	sadd.s32 s1, s30  }
0xba: {  	s0 =	sor.u32 s3, s0;
	s1 =	sshll.u32 s1, $0x11  }
0xbb: {  	s0 =	sor.u32 s1, s0  }
0xbc: {  	s0 =	sadd.s32 $0x8F2B, s0  }
0xbd: {  	[sflag:s0] =	ssyncadd.remote.s32 $0x1  }
0xbe: {  	_ =	sfence.sel $0xFFFF  }
0xbf: {  	[dreg:$0x0] =	wrdreg $0xFFFFFFFF;
	(pc) =	sbr.abs _section_cstart, $3  }
0xc0: {  	[dreg:$0x1] =	wrdreg $0xFFFFFFFF  }
0xc1: {  	_ =	task.clear_ibuf [dreg:s6], $0x2FFFF;
	_ =	strace $0x9FFFFFFF  }
0xc2: {  	(tm) =	ssettm $0x7FFFFFFF  }
0xc3: {  	_ =	shalt  }
tec
execute0_lowered:
.L_overlay_start_1:
0x0: {  	(tag) =	ssettag $0x1  }
0x1: {  	s0 =	srdreg.scid;
	s4 =	rddreg [dreg:$0x0]  }
0x2: {  	s2 =	rddreg [dreg:$0x1];
	s5 =	sand.u32 $0x1, s0  }
0x3: {  	s0 =	stileid.u32;
	s6 =	smul.u32 $0x27800, s5  }
0x4: {  	s1 =	rddreg [dreg:$0x2];
	s7 =	smul.u32 $0x2780, s0  }
0x5: {  	s3 =	simm.s32 $0x0;
	s11 =	simm.s32 $0x2780;
	s8 =	smul.u32 $0x7D0, s0  }
0x6: {  	s12 =	simm.s32 $0x1;
	s13 =	simm.s32 $0x0;
	s9 =	smul.u32 $0x2710, s5  }
0x7: {  	[smem:$0x7FF] =	sst s3;
	s30 =	smul.u32 $0x1F40, s0;
	s5 =	ssub.s32 $0x2, s5  }
0x8: {  	_ =	strace $0x80000047;
	p0 =	sgt.u32 s0, $0x4;
	s31 =	sshrl.u32 s5, $0x1  }
0x9: {  	s6 =	sadd.s32 s7, s6;
	s29 =	sadd.s32 s8, s9;
	s9 =	sshrl.u32 s30, $0x2  }
0xa: {  	s10 =	ssub.s32 s5, s31;
	s6 =	sshrl.u32 s6, $0x3;
	s7 =	sshrl.u32 s29, $0x3  }
0xb: {  	s5 =	sadd.s32 s9, s2;
	s9 =	simm.s32 $0x2;
	s6 =	sadd.s32 s6, s4  }
0xc: {  	s7 =	sadd.s32 s7, s4;
	s4 =	sadd.s32 $0x1A00, s6;
	s6 =	sadd.s32 s8, s2  }
0xd: {  	v0 =	vimm.f32 $1.000000000e+00;
	v1 =	vimm.f32 $0.0e+00;
	s7 =	sadd.s32 $0xB800, s7;
	s8 =	smax.u32 s10, $0x1;
	s10 =	simm.s32 $0x80  }
.LBB2_1:
0xe: {  	[tilespmem:s3], [sflag:$0x2] =	stream.linear.gather [hbm4b:s4+s3], $0x2780, $0x38;
	[tilespmem:$0x3248] =	vst v63  }
0xf: {  	_ =	swait.ge [sflag:s9], $0x2780  }
0x10: {  	[sflag:s9] =	ssyncset.done $0x0  }
0x11: {  	[sflag:s9] =	ssyncadd.s32 $0xFFFFD880  }
0x12: {  	[tilespmem:$0x2780] =	vst v0  }
0x13: {  	[tilespmem:$0x2790] =	vst v0  }
0x14: {  	[tilespmem:$0x27A0] =	vst v0  }
0x15: {  	[tilespmem:$0x27B0] =	vst v0  }
0x16: {  	[tilespmem:$0x27C0] =	vst v0  }
0x17: {  	[tilespmem:$0x27D0] =	vst v0  }
0x18: {  	[tilespmem:$0x27E0] =	vst v0  }
0x19: {  	s14 =	simm.s32 $0x40;
	s15 =	simm.s32 $0x0;
	[tilespmem:$0x27F0] =	vst v0  }
.LBB2_2:
0x1a: {  	p1 =	sne.s32 s14, $0x1F00;
	[tilespmem:s15+$0x2800] =	vst v1;
	s15 =	smov.u32 s14;
	s14 =	sadd.s32 $0x40, s14  }
.Ltmp0:
0x1b: {  	(pc) =	sbr.rel @p1 .LBB2_2-.Ltmp0, $2  }
0x1c: {  	_ =	sdelay $0x2  }
0x1d: {  	s15 =	sshra.s32 s15, $0x2  }
0x1e: {  	[tilespmem:s15+$0x2800] =	vst v1;
	s14 =	simm.s32 @!p0 $0x2800  }
0x1f: {  	[spmem:s5] =	stream.linear.scatter @!p0 [tilespmem:s14], [sflag:$0x2], $0x7D0, $0x38;
	[tilespmem:$0x3248] =	vst v63  }
0x20: {  	s14 =	simm.s32 @!p0 $0x2  }
0x21: {  	_ =	swait.ge @!p0 [sflag:s14], $0x7D0  }
0x22: {  	[sflag:s14] =	ssyncset.done @!p0 $0x0  }
0x23: {  	[sflag:s14] =	ssyncadd.s32 @!p0 $0xFFFFF830  }
0x24: {  	s14 =	simm.s32 $0x0;
	[bflag:$0x0] =	sbarrier.arrive $0xFFFF  }
.LBB2_4:
0x25: {  	p1 =	sne.s32 s14, $0x9C00  }
.Ltmp1:
0x26: {  	_ = 	snop;
	(pc) =	sbr.rel @p1 .LBB2_4-.Ltmp1, $3  }
0x27: {  	_ =	sdelay $0x1  }
0x28: {  	s15 =	sshra.s32 s14, $0x2;
	s14 =	sadd.s32 $0x200, s14  }
0x29: {  	[spmem:s2] =	stream.indirect.scatter.add.f32 [tilespmem:s11], [sflag:$0x1], $0x1, s15, s10, $0xb8;
	[tilespmem:$0x3248] =	vst v63  }
0x2a: {  	_ =	swait.ge [sflag:s12], $0x80  }
0x2b: {  	s14 =	simm.s32 $0x4E;
	[sflag:s12] =	ssyncset.done $0x0  }
.LBB2_6:
0x2c: {  	p1 =	sne.s32 s14, $0x1;
	s14 =	sadd.s32 $0xFFFFFFFF, s14;
	[sflag:s12] =	ssyncadd.s32 $0xFFFFFF80  }
.Ltmp2:
0x2d: {  	(pc) =	sbr.rel @p1 .LBB2_6-.Ltmp2, $3  }
0x2e: {  	_ =	sdelay $0x1  }
0x2f: {  	_ =	swait.ge [sflag:s12], $0x80  }
0x30: {  	[sflag:s12] =	ssyncset.done $0x0  }
0x31: {  	[sflag:s12] =	ssyncadd.s32 $0xFFFFFF80  }
0x32: {  	s14 =	simm.s32 @!p0 $0x2800;
	s15 =	simm.s32 @!p0 $0x2;
	[bflag:$0x0] =	sbarrier.arrive $0xFFFF  }
0x33: {  	[tilespmem:s14], [sflag:$0x2] =	stream.linear.gather @!p0 [spmem:s6], $0x7D0, $0x38;
	[tilespmem:$0x3248] =	vst v63  }
0x34: {  	s13 =	sadd.s32 $0x1, s13;
	_ =	swait.ge @!p0 [sflag:s15], $0x7D0  }
0x35: {  	p1 =	sne.s32 s13, s8;
	[sflag:s15] =	ssyncset.done @!p0 $0x0  }
.Ltmp3:
0x36: {  	s16 =	simm.s32 @!p0 $0x0;
	[sflag:s15] =	ssyncadd.s32 @!p0 $0xFFFFF830;
	(pc) =	sbr.rel @p1 .LBB2_1-.Ltmp3, $4  }
0x37: {  	[hbm4b:s7+s16] =	stream.linear.scatter @!p0 [tilespmem:s14], [sflag:$0x2], $0x7D0, $0x38;
	[tilespmem:$0x3248] =	vst v63  }
0x38: {  	_ =	swait.ge @!p0 [sflag:s15], $0x7D0  }
0x39: {  	[sflag:s15] =	ssyncset.done @!p0 $0x0  }
0x3a: {  	[sflag:s15] =	ssyncadd.s32 @!p0 $0xFFFFF830  }
0x3b: {  	_ =	sfence.sel $0x180000  }
0x3c: {  	[bflag:$0x0] =	sbarrier.arrive $0xFFFF  }
0x3d: {  	p0 =	sne.s32 s0, $0x0;
	_ =	strace $0x90000047  }
0x3e: {  	s0 =	sadd.s32 @!p0 $0x100000, s1;
	[bflag:$0x2] =	sbarrier.arrive $0xFFFF  }
0x3f: {  	[sflag:s0] =	ssyncadd.tile.s32 @!p0 $0x1;
	_ =	shalt  }
.Lfunc_end2:
_tile_overlayer_lowered:
.L_overlay_start_2:
0x40: {  	(tag) =	ssettag $0x2  }
0x41: {  	s0 =	rddreg [dreg:$0x0];
	s2 =	stileid.u32  }
0x42: {  	s1 =	rddreg [dreg:$0x1];
	p0 =	sne.s32 s2, $0x0  }
0x43: {  	s3 =	rddreg [dreg:$0x2];
	[bflag:$0x3] =	sbarrier.arrive $0xFFFF;
	s2 =	simm.s32 @!p0 $0x1C02  }
0x44: {  	[timem:s3], [sflag:s2] =	dma.local @!p0 [hbm:s0], s1  }
0x45: {  	s0 =	simm.s32 @!p0 $0x2  }
0x46: {  	_ =	swait.ge @!p0 [sflag:s0], s1  }
0x47: {  	s1 =	ssub.s32 @!p0 $0x0, s1;
	[sflag:s0] =	ssyncset.done @!p0 $0x0  }
0x48: {  	[sflag:s0] =	ssyncadd.s32 @!p0 s1  }
0x49: {  	[bflag:$0x3] =	sbarrier.arrive $0xFFFF  }
0x4a: {  	_ =	shalt  }

// kernel: kernel.9.cloned.1.call-start
scs
__scs_entry_jumppad:
0x0: {  	(pc) =	sbr.rel $0x88, $3  }
0x1: {  	(tag) =	ssettag $0x0;
	lr =	simm.s32 $0x1  }
0x2: {  	[smem:$0x3F97] =	sst lr;
	_ =	strace $0xD0000000  }
0x3: {  	_ = 	snop  }
0x4: {  	_ = 	snop  }
0x5: {  	_ = 	snop  }
0x6: {  	_ = 	snop  }
0x7: {  	_ = 	snop  }
__scs_overlays_trampoline_lowered:
0x8: {  	[smem:$0x3FA6] =	sst s0  }
0x9: {  	[smem:$0x3FA7] =	sst s1  }
0xa: {  	[smem:$0x3FA8] =	sst s2  }
0xb: {  	[smem:$0x3FA9] =	sst s3  }
0xc: {  	[smem:$0x3FAA] =	sst s4  }
0xd: {  	[smem:$0x3FAB] =	sst s5  }
0xe: {  	[smem:$0x3FAC] =	sst s6  }
0xf: {  	[smem:$0x3FAD] =	sst s7  }
0x10: {  	[smem:$0x3FAE] =	sst s8  }
0x11: {  	[smem:$0x3FAF] =	sst s9;
	s0 =	simm.s32 @!p0 $0x0  }
0x12: {  	s1 =	sld [smem:$0x3F95];
	s0 =	simm.s32 @p0 $0x1  }
0x13: {  	[smem:$0x3FB0] =	sst s0;
	s0 =	simm.s32 @!p1 $0x0  }
0x14: {  	s2 =	sld [smem:$0x3F94];
	s0 =	simm.s32 @p1 $0x1  }
0x15: {  	[smem:$0x3FB1] =	sst s0;
	s0 =	simm.s32 @!p2 $0x0  }
0x16: {  	s3 =	sld [smem:$0x3FDB];
	s0 =	simm.s32 @p2 $0x1  }
0x17: {  	s4 =	simm.s32 $0x1BF5;
	[smem:$0x3FB3] =	sst s0  }
0x18: {  	s0 =	sld [smem:$0x3F96];
	_ =	swait.ge [sflag:s4], $0x0  }
0x19: {  	s7 =	sld [smem:$0x3F97]  }
0x1a: {  	s8 =	sadd.s32 $0xFFFFE003, lr  }
0x1b: {  	s9 =	sadd.s32 $0xFFFFFEF7, lr;
	s5 =	simm.s32 $0xFFFFFFFF;
	p2 =	slt.u32 s8, $0xFFFFF086  }
0x1c: {  	p1 =	slt.u32 s9, $0xF7A;
	s5 =	simm.s32 @!p2 $0x0  }
0x1d: {  	s5 =	simm.s32 @p1 $0x1;
	p0 =	seq.s32 s7, s2  }
0x1e: {  	s7 =	smul.u32 @!p0 $0xF7A, s2;
	p2 =	seq.s32 @!p0 s5, $0x0  }
0x1f: {  	s9 =	smul.u32 $0xF7A, s1;
	s8 =	simm.s32 @!p0 $0x1BF5;
	p2 =	por !p2, p0  }
0x20: {  	[sflag:s8] =	ssyncset.s32 @!p0 $0xFFFFF086;
	s6 =	sadd.s32 @!p0 s3, s7;
	s7 =	simm.s32 @!p0 $0x108  }
0x21: {  	s3 =	sadd.s32 s3, s9;
	s6 =	sadd.s32 @!p0 $0x88, s6;
	s7 =	simm.s32 @p2 $0x1082  }
0x22: {  	[simem:s7], [sflag:s8] =	dma.local @!p0 [hbm:s6], $0xF7A  }
0x23: {  	s9 =	sor.u32 $0xD0000000, s2;
	s6 =	simm.s32 $0x108;
	_ =	swait.ge @!p0 [sflag:s8], $0x0  }
0x24: {  	s3 =	sadd.s32 $0x88, s3;
	s6 =	simm.s32 @!p1 $0x1082;
	[sflag:s4] =	ssyncset.s32 $0xFFFFF086  }
0x25: {  	[simem:s6], [sflag:s4] =	dma.local [hbm:s3], $0xF7A  }
0x26: {  	[smem:$0x3F97] =	sst s1;
	(tag) =	ssettag s2;
	_ =	strace s9  }
0x27: {  	s1 =	sld [smem:$0x3FA7]  }
0x28: {  	s2 =	sld [smem:$0x3FA8]  }
0x29: {  	s4 =	sld [smem:$0x3FAA]  }
0x2a: {  	p0 =	seq.s32 s5, $0x0;
	s5 =	sld [smem:$0x3FAB]  }
0x2b: {  	s6 =	sld [smem:$0x3FAC]  }
0x2c: {  	s7 =	sld [smem:$0x3FAD]  }
0x2d: {  	s3 =	simm.s32 $0x108;
	s8 =	sld [smem:$0x3FAE]  }
0x2e: {  	s3 =	simm.s32 @!p0 $0x1082;
	s9 =	sld [smem:$0x3FAF]  }
0x2f: {  	lr =	sadd.s32 s0, s3;
	s0 =	sld [smem:$0x3FA6]  }
0x30: {  	s3 =	sld [smem:$0x3FA9]  }
0x31: {  	[smem:$0x3FB2] =	sst s10  }
0x32: {  	s10 =	sld [smem:$0x3FB0];
	_ =	sdelay $0x3  }
0x33: {  	p0 =	seq.s32 s10, $0x1;
	s10 =	sld [smem:$0x3FB2];
	_ =	sdelay $0x3  }
0x34: {  	[smem:$0x3FB2] =	sst s10  }
0x35: {  	s10 =	sld [smem:$0x3FB1];
	_ =	sdelay $0x3  }
0x36: {  	p1 =	seq.s32 s10, $0x1;
	s10 =	sld [smem:$0x3FB2];
	_ =	sdelay $0x3  }
0x37: {  	[smem:$0x3FB2] =	sst s10  }
0x38: {  	s10 =	sld [smem:$0x3FB3]  }
0x39: {  	_ = 	snop;
	(pc) =	sbr.ind lr, $3  }
0x3a: {  	_ = 	snop  }
0x3b: {  	_ = 	snop  }
0x3c: {  	p2 =	seq.s32 s10, $0x1;
	s10 =	sld [smem:$0x3FB2]  }
0x3d: {  	_ =	shalt  }
0x3e: {  	_ =	shalt  }
0x3f: {  	_ =	shalt  }
0x40: {  	_ =	shalt  }
0x41: {  	_ =	shalt  }
0x42: {  	_ =	shalt  }
0x43: {  	_ =	shalt  }
0x44: {  	_ =	shalt  }
0x45: {  	_ =	shalt  }
0x46: {  	_ =	shalt  }
0x47: {  	_ =	shalt  }
0x48: {  	_ =	shalt  }
0x49: {  	_ =	shalt  }
0x4a: {  	_ =	shalt  }
0x4b: {  	_ =	shalt  }
0x4c: {  	_ =	shalt  }
0x4d: {  	_ =	shalt  }
0x4e: {  	_ =	shalt  }
0x4f: {  	_ =	shalt  }
0x50: {  	_ =	shalt  }
0x51: {  	_ =	shalt  }
0x52: {  	_ =	shalt  }
0x53: {  	_ =	shalt  }
0x54: {  	_ =	shalt  }
0x55: {  	_ =	shalt  }
0x56: {  	_ =	shalt  }
0x57: {  	_ =	shalt  }
0x58: {  	_ =	shalt  }
0x59: {  	_ =	shalt  }
0x5a: {  	_ =	shalt  }
0x5b: {  	_ =	shalt  }
0x5c: {  	_ =	shalt  }
0x5d: {  	_ =	shalt  }
0x5e: {  	_ =	shalt  }
0x5f: {  	_ =	shalt  }
0x60: {  	_ =	shalt  }
0x61: {  	_ =	shalt  }
0x62: {  	_ =	shalt  }
0x63: {  	_ =	shalt  }
0x64: {  	_ =	shalt  }
0x65: {  	_ =	shalt  }
0x66: {  	_ =	shalt  }
0x67: {  	_ =	shalt  }
0x68: {  	_ =	shalt  }
0x69: {  	_ =	shalt  }
0x6a: {  	_ =	shalt  }
0x6b: {  	_ =	shalt  }
0x6c: {  	_ =	shalt  }
0x6d: {  	_ =	shalt  }
0x6e: {  	_ =	shalt  }
0x6f: {  	_ =	shalt  }
0x70: {  	_ =	shalt  }
0x71: {  	_ =	shalt  }
0x72: {  	_ =	shalt  }
0x73: {  	_ =	shalt  }
0x74: {  	_ =	shalt  }
0x75: {  	_ =	shalt  }
0x76: {  	_ =	shalt  }
0x77: {  	_ =	shalt  }
0x78: {  	_ =	shalt  }
0x79: {  	_ =	shalt  }
0x7a: {  	_ =	shalt  }
0x7b: {  	_ =	shalt  }
0x7c: {  	_ =	shalt  }
0x7d: {  	_ =	shalt  }
0x7e: {  	_ =	shalt  }
0x7f: {  	_ =	shalt  }
0x80: {  	_ =	shalt  }
0x81: {  	_ =	shalt  }
0x82: {  	_ =	shalt  }
0x83: {  	_ =	shalt  }
0x84: {  	_ =	shalt  }
0x85: {  	_ =	shalt  }
0x86: {  	_ =	shalt  }
0x87: {  	_ =	shalt  }
.Lfunc_end0:
.L_simem_size_0:
called_computation.1_lowered:
.L_overlay_start_0:
0x88: {  	s2 =	sld [smem:$0x3FD9]  }
0x89: {  	s3 =	sld [smem:$0x3FFE];
	_ =	sdelay $0x1  }
0x8a: {  	s1 =	srdreg.scid  }
0x8b: {  	s0 =	sand.u32 $0x1, s1  }
0x8c: {  	s16 =	sshll.u32 s0, $0xA;
	s2 =	sadd.s32 s3, s2  }
0x8d: {  	s2 =	sadd.s32 s2, s16  }
0x8e: {  	[smem:$0x3FBE] =	sst s2  }
0x8f: {  	_ = 	snop  }
0x90: {  	(tm) =	ssettm $0x1  }
0x91: {  	s17 =	sld [smem:$0x3FFB];
	_ =	sdelay $0x3  }
0x92: {  	_ =	strace s17  }
0x93: {  	s2 =	sld [smem:$0x3FFC];
	_ =	sdelay $0x3  }
0x94: {  	_ =	strace s2  }
0x95: {  	s2 =	sld [smem:$0x3FFD];
	_ =	sdelay $0x3  }
0x96: {  	_ =	strace s2  }
0x97: {  	_ =	strace $0x8FFFFFFF  }
0x98: {  	s18 =	sld [smem:$0x3FDB];
	_ =	sdelay $0x1  }
0x99: {  	s19 =	simm.s32 $_scs_section_size  }
0x9a: {  	s4 =	simm.s32 $_size__tile_overlayer_lowered;
	s5 =	simm.s32 $_tile_overlayer_lowered  }
0x9b: {  	s22 =	simm.s32 $0x1BFF;
	s21 =	sshll.u32 s5, $0x1;
	s2 =	sadd.s32 s19, s18  }
0x9c: {  	s6 =	simm.s32 $0x0;
	s20 =	sshll.u32 s4, $0x1;
	s4 =	sadd.s32 s21, s2  }
0x9d: {  	[timem:s6], [sflag:s22] =	dma.local [hbm:s4], s20  }
0x9e: {  	_ =	swait.ge [sflag:s22], s20  }
0x9f: {  	s3 =	ssub.s32 $0x0, s20;
	[sflag:s22] =	ssyncset.done $0x0  }
0xa0: {  	[sflag:s22] =	ssyncadd.s32 s3;
	_ =	sdelay $0x1  }
0xa1: {  	s23 =	simm.s32 $0x1B8B  }
0xa2: {  	_ =	swait.ge [sflag:s23], $0x1  }
0xa3: {  	[sflag:s23] =	ssyncset.done $0x0  }
0xa4: {  	s25 =	simm.s32 $0x1B8E;
	s24 =	sld [smem:$0x3FFE];
	[sflag:s23] =	ssyncadd.s32 $0xFFFFFFFF  }
0xa5: {  	s26 =	simm.s32 $execute0_lowered;
	[smem:$0x3FD2] =	sst s25  }
0xa6: {  	s4 =	sshll.u32 s26, $0x1;
	_ =	strace $0x80000049;
	[dreg:$0x1] =	wrdreg $0xFFFFFFFF  }
0xa7: {  	s28 =	simm.s32 $_size_execute0_lowered;
	s2 =	sadd.s32 s2, s4;
	[dreg:$0x0] =	wrdreg $0x0  }
0xa8: {  	s4 =	sshll.u32 s28, $0x1;
	[dreg:$0x2] =	wrdreg s2  }
0xa9: {  	[dreg:$0x3] =	wrdreg s4  }
0xaa: {  	[dreg:$0x4] =	wrdreg $0xC0  }
0xab: {  	_ =	task [dreg:s6], $0x5FFFF  }
0xac: {  	[dreg:$0x1] =	wrdreg $0xFFFFFFFF  }
0xad: {  	[dreg:$0x0] =	wrdreg $0x60  }
0xae: {  	[dreg:$0x2] =	wrdreg s24  }
0xaf: {  	[dreg:$0x3] =	wrdreg $0x154000  }
0xb0: {  	[dreg:$0x4] =	wrdreg $0x9  }
0xb1: {  	_ =	task.clear_ibuf [dreg:s6], $0x5FFFF;
	_ =	strace $0x90000049  }
0xb2: {  	s29 =	simm.s32 $0x9;
	_ =	strace $0x8000004B  }
0xb3: {  	_ =	swait.ge [sflag:s29], $0x1  }
0xb4: {  	[sflag:s29] =	ssyncadd.s32 $0xFFFFFFFF  }
0xb5: {  	_ =	strace $0x9000004B  }
0xb6: {  	_ =	sfence  }
0xb7: {  	s30 =	sld [smem:$0x0];
	_ =	sdelay $0x2  }
0xb8: {  	s31 =	sshll.u32 s1, $0xD;
	s1 =	sshrl.u32 s1, $0x2  }
0xb9: {  	s3 =	sand.u32 $0x4000, s31;
	s1 =	sadd.s32 s1, s30  }
0xba: {  	s0 =	sor.u32 s3, s0;
	s1 =	sshll.u32 s1, $0x11  }
0xbb: {  	s0 =	sor.u32 s1, s0  }
0xbc: {  	s0 =	sadd.s32 $0x8F2B, s0  }
0xbd: {  	[sflag:s0] =	ssyncadd.remote.s32 $0x1  }
0xbe: {  	_ =	sfence.sel $0xFFFF  }
0xbf: {  	[dreg:$0x0] =	wrdreg $0xFFFFFFFF;
	(pc) =	sbr.abs _section_cstart, $3  }
0xc0: {  	[dreg:$0x1] =	wrdreg $0xFFFFFFFF  }
0xc1: {  	_ =	task.clear_ibuf [dreg:s6], $0x2FFFF;
	_ =	strace $0x9FFFFFFF  }
0xc2: {  	(tm) =	ssettm $0x7FFFFFFF  }
0xc3: {  	_ =	shalt  }
tec
execute0_lowered:
.L_overlay_start_1:
0x0: {  	(tag) =	ssettag $0x1  }
0x1: {  	s1 =	rddreg [dreg:$0x0]  }
0x2: {  	s0 =	srdreg.scid;
	s2 =	rddreg [dreg:$0x1]  }
0x3: {  	s3 =	simm.s32 $0x0;
	s12 =	stileid.u32;
	s30 =	simm.s32 $0x5100  }
0x4: {  	s31 =	simm.s32 $0x1;
	s0 =	sand.u32 $0x1, s0;
	s5 =	smul.u32 $0xA20, s12  }
0x5: {  	[smem:$0x7FF] =	sst s3;
	s8 =	smul.u32 $0xFA00, s12;
	p0 =	sgt.u32 s12, $0x9  }
0x6: {  	s7 =	smul.u32 $0x9C400, s0;
	_ =	strace $0x8000004A;
	s0 =	ssub.s32 $0x2, s0  }
0x7: {  	s5 =	sadd.s32 s5, s1;
	s25 =	sshrl.u32 s0, $0x1;
	s10 =	sadd.s32 s8, s2  }
0x8: {  	s26 =	sadd.s32 $0x1F40, s8;
	s11 =	sadd.s32 $0x3E80, s8;
	s16 =	sadd.s32 $0x5DC0, s8  }
0x9: {  	s18 =	sadd.s32 $0x7D00, s8;
	s20 =	sadd.s32 $0x9C40, s8;
	s23 =	sadd.s32 $0xBB80, s8  }
0xa: {  	s4 =	sshrl.u32 s7, $0x3;
	s0 =	ssub.s32 s0, s25;
	s9 =	sadd.s32 s8, s7  }
0xb: {  	[dreg:$0x3] =	wrdreg s10;
	s13 =	sadd.s32 s7, s26;
	s10 =	sadd.s32 s26, s2  }
0xc: {  	s14 =	sadd.s32 s7, s11;
	s11 =	sadd.s32 s11, s2;
	s17 =	sadd.s32 s7, s16  }
0xd: {  	s19 =	sadd.s32 s7, s18;
	s21 =	sadd.s32 s7, s20;
	s24 =	sadd.s32 s7, s23  }
0xe: {  	s8 =	sadd.s32 $0xDAC0, s8;
	s25 =	smul.u32 $0x3E800, s12;
	s6 =	sadd.s32 s4, s1  }
0xf: {  	s1 =	sadd.s32 $0x47800, s1;
	s4 =	sadd.s32 $0xC200, s5;
	s5 =	sadd.s32 $0x16400, s5  }
0x10: {  	s9 =	sshrl.u32 s9, $0x3;
	[dreg:$0x5] =	wrdreg s10;
	s15 =	sshrl.u32 s14, $0x3  }
0x11: {  	[dreg:$0x7] =	wrdreg s11;
	s10 =	sadd.s32 s16, s2;
	s22 =	sshrl.u32 s21, $0x3  }
0x12: {  	s11 =	sadd.s32 s20, s2;
	s7 =	sadd.s32 s7, s8;
	s8 =	sadd.s32 s8, s2  }
0x13: {  	s14 =	simm.s32 $0x3;
	s16 =	simm.s32 $0x5;
	[dreg:$0x9] =	wrdreg s10  }
0x14: {  	s20 =	simm.s32 $0x6;
	s6 =	sadd.s32 $0x20600, s6;
	[dreg:$0xd] =	wrdreg s11  }
0x15: {  	s9 =	sadd.s32 s1, s9;
	s10 =	sadd.s32 s18, s2;
	[dreg:$0x11] =	wrdreg s8  }
0x16: {  	s7 =	sshrl.u32 s7, $0x3;
	s26 =	sshrl.u32 s25, $0x2;
	s8 =	simm.s32 $0xC200  }
0x17: {  	s18 =	simm.s32 $0x4;
	[dreg:$0x4] =	wrdreg s9;
	s9 =	sshrl.u32 s13, $0x3  }
0x18: {  	[dreg:$0xb] =	wrdreg s10;
	s10 =	sadd.s32 s23, s2;
	s9 =	sadd.s32 s1, s9  }
0x19: {  	s23 =	smax.u32 s0, $0x1;
	[dreg:$0x6] =	wrdreg s9;
	s9 =	sadd.s32 s1, s15  }
0x1a: {  	s0 =	simm.s32 $0x2;
	[dreg:$0x8] =	wrdreg s9;
	s9 =	sshrl.u32 s17, $0x3  }
0x1b: {  	s13 =	simm.s32 $0x10200;
	[dreg:$0xf] =	wrdreg s10;
	s9 =	sadd.s32 s1, s9  }
0x1c: {  	s10 =	simm.s32 $0xE200;
	[dreg:$0xa] =	wrdreg s9;
	s9 =	sshrl.u32 s19, $0x3  }
0x1d: {  	s15 =	simm.s32 $0x9;
	s17 =	simm.s32 $0x0;
	s9 =	sadd.s32 s1, s9  }
0x1e: {  	[dreg:$0xc] =	wrdreg s9;
	s9 =	sadd.s32 s1, s22;
	s22 =	simm.s32 $0x7  }
.Ltmp0:
0x1f: {  	[dreg:$0xe] =	wrdreg s9;
	s9 =	sshrl.u32 s24, $0x3;
	(pc) =	sbr.rel .LBB2_1-.Ltmp0, $4  }
0x20: {  	s24 =	sadd.s32 s26, s2;
	s9 =	sadd.s32 s1, s9;
	s1 =	sadd.s32 s1, s7  }
0x21: {  	s25 =	sadd.s32 $0x3200, s24;
	s26 =	sadd.s32 $0x6400, s24;
	s28 =	sadd.s32 $0x9600, s24  }
0x22: {  	s29 =	sadd.s32 $0xC800, s24;
	s7 =	simm.s32 $0xA200;
	[dreg:$0x10] =	wrdreg s9  }
0x23: {  	v0 =	vimm.f32 $0.0e+00;
	[dreg:$0x12] =	wrdreg s1;
	s1 =	simm.s32 $0x80;
	s9 =	simm.s32 $0x8  }
.LBB2_7:
0x24: {  	s17 =	sadd.s32 $0x1, s17  }
0x25: {  	p1 =	sne.s32 s17, s23  }
.Ltmp1:
0x26: {  	_ = 	snop;
	(pc) =	sbr.rel @!p1 .LBB2_8-.Ltmp1, $1  }
0x27: {  	_ =	sdelay $0x3  }
.LBB2_1:
0x28: {  	[tilespmem:s3], [sflag:$0x1] =	stream.linear.gather [hbm4b:s4+s3], $0x5100, $0x38;
	[tilespmem:$0x1F140] =	vst v63  }
0x29: {  	s11 =	sand.u32 $0xFF00, s3  }
0x2a: {  	s21 =	sand.u32 $0x30, s3;
	s11 =	sshrl.u32 s11, $0x2  }
0x2b: {  	[tilespmem:s30], [sflag:$0x2] =	stream.linear.gather [hbm4b:s5+s3], $0x5100, $0x38;
	[tilespmem:$0x1F140] =	vst v63  }
0x2c: {  	s19 =	simm.s32 $0x40;
	s11 =	sor.u32 s21, s11;
	s21 =	simm.s32 $0x0  }
.LBB2_2:
0x2d: {  	p1 =	sne.s32 s19, $0xC7C0  }
0x2e: {  	[tilespmem:s11+$0x12200] =	vst v0;
	s21 =	sadd.s32 $0x10, s21;
	s11 =	smov.u32 s19;
	s19 =	sadd.s32 $0x40, s19  }
.Ltmp2:
0x2f: {  	(pc) =	sbr.rel @p1 .LBB2_2-.Ltmp2, $4  }
0x30: {  	_ = 	snop  }
0x31: {  	s11 =	sand.u32 $0xFF00, s11  }
0x32: {  	s12 =	sand.u32 $0x30, s21;
	s11 =	sshrl.u32 s11, $0x2  }
0x33: {  	s11 =	sor.u32 s12, s11  }
0x34: {  	[tilespmem:s11+$0x12200] =	vst v0;
	s11 =	simm.s32 @!p0 $0x12200;
	s12 =	simm.s32 @!p0 $0x9  }
0x35: {  	[spmem:s24] =	stream.linear.scatter @!p0 [tilespmem:s11], [sflag:$0x9], $0x3200, $0x38;
	[tilespmem:$0x1F140] =	vst v63  }
0x36: {  	_ =	swait.ge @!p0 [sflag:s12], $0x3200  }
0x37: {  	[sflag:s12] =	ssyncset.done @!p0 $0x0  }
0x38: {  	[sflag:s12] =	ssyncadd.s32 @!p0 $0xFFFFCE00  }
0x39: {  	[spmem:s25] =	stream.linear.scatter @!p0 [tilespmem:s11], [sflag:$0x9], $0x3200, $0x38;
	[tilespmem:$0x1F140] =	vst v63  }
0x3a: {  	_ =	swait.ge @!p0 [sflag:s12], $0x3200  }
0x3b: {  	[sflag:s12] =	ssyncset.done @!p0 $0x0  }
0x3c: {  	[sflag:s12] =	ssyncadd.s32 @!p0 $0xFFFFCE00  }
0x3d: {  	[spmem:s26] =	stream.linear.scatter @!p0 [tilespmem:s11], [sflag:$0x9], $0x3200, $0x38;
	[tilespmem:$0x1F140] =	vst v63  }
0x3e: {  	_ =	swait.ge @!p0 [sflag:s12], $0x3200  }
0x3f: {  	[sflag:s12] =	ssyncset.done @!p0 $0x0  }
0x40: {  	[sflag:s12] =	ssyncadd.s32 @!p0 $0xFFFFCE00  }
0x41: {  	[spmem:s28] =	stream.linear.scatter @!p0 [tilespmem:s11], [sflag:$0x9], $0x3200, $0x38;
	[tilespmem:$0x1F140] =	vst v63  }
0x42: {  	_ =	swait.ge @!p0 [sflag:s12], $0x3200  }
0x43: {  	[sflag:s12] =	ssyncset.done @!p0 $0x0  }
0x44: {  	[sflag:s12] =	ssyncadd.s32 @!p0 $0xFFFFCE00  }
0x45: {  	[spmem:s29] =	stream.linear.scatter @!p0 [tilespmem:s11], [sflag:$0x9], $0x3200, $0x38;
	[tilespmem:$0x1F140] =	vst v63  }
0x46: {  	_ =	swait.ge @!p0 [sflag:s12], $0x3200  }
0x47: {  	[sflag:s12] =	ssyncset.done @!p0 $0x0  }
0x48: {  	[sflag:s12] =	ssyncadd.s32 @!p0 $0xFFFFCE00  }
0x49: {  	_ =	swait.ge [sflag:s31], $0x5100  }
0x4a: {  	[sflag:s31] =	ssyncset.done $0x0  }
0x4b: {  	[sflag:s31] =	ssyncadd.s32 $0xFFFFAF00  }
0x4c: {  	_ =	swait.ge [sflag:s0], $0x5100  }
0x4d: {  	[sflag:s0] =	ssyncset.done $0x0  }
0x4e: {  	[sflag:s0] =	ssyncadd.s32 $0xFFFFAF00  }
0x4f: {  	s12 =	simm.s32 $0x0;
	[bflag:$0x0] =	sbarrier.arrive $0xFFFF  }
0x50: {  	[tilespmem:s7], [sflag:$0x1] =	stream.indirect.gather [hbm4b:s6+s1], $0x40, s12, s1, $0xb8;
	[tilespmem:$0x1F140] =	vst v63  }
0x51: {  	_ = 	snop  }
0x52: {  	[tilespmem:s8], [sflag:$0x2] =	stream.indirect.gather [hbm4b:s6+s1], $0x40, s1, s1, $0xb8;
	[tilespmem:$0x1F140] =	vst v63  }
0x53: {  	_ =	swait.ge [sflag:s31], $0x2000  }
0x54: {  	[sflag:s31] =	ssyncset.done $0x0  }
0x55: {  	[sflag:s31] =	ssyncadd.s32 $0xFFFFE000  }
0x56: {  	[spmem:s2] =	stream.indirect.scatter.add.f32 [tilespmem:s7], [sflag:$0x5], $0x40, s30, s1, $0xb8;
	[tilespmem:$0x1F140] =	vst v63  }
0x57: {  	s19 =	simm.s32 $0x100  }
0x58: {  	[tilespmem:s10], [sflag:$0x3] =	stream.indirect.gather [hbm4b:s6+s1], $0x40, s19, s1, $0xb8;
	[tilespmem:$0x1F140] =	vst v63  }
0x59: {  	_ =	swait.ge [sflag:s0], $0x2000  }
0x5a: {  	[sflag:s0] =	ssyncset.done $0x0  }
0x5b: {  	s21 =	simm.s32 $0x5180;
	[sflag:s0] =	ssyncadd.s32 $0xFFFFE000  }
0x5c: {  	[spmem:s2] =	stream.indirect.scatter.add.f32 [tilespmem:s8], [sflag:$0x6], $0x40, s21, s1, $0xb8;
	[tilespmem:$0x1F140] =	vst v63  }
0x5d: {  	s12 =	simm.s32 $0x180  }
0x5e: {  	[tilespmem:s13], [sflag:$0x4] =	stream.indirect.gather [hbm4b:s6+s1], $0x40, s12, s1, $0xb8;
	[tilespmem:$0x1F140] =	vst v63  }
0x5f: {  	_ =	swait.ge [sflag:s14], $0x2000  }
0x60: {  	[sflag:s14] =	ssyncset.done $0x0  }
0x61: {  	s19 =	simm.s32 $0x5200;
	[sflag:s14] =	ssyncadd.s32 $0xFFFFE000  }
0x62: {  	[spmem:s2] =	stream.indirect.scatter.add.f32 [tilespmem:s10], [sflag:$0x7], $0x40, s19, s1, $0xb8;
	[tilespmem:$0x1F140] =	vst v63  }
0x63: {  	_ =	swait.ge [sflag:s16], $0x2000  }
0x64: {  	[sflag:s16] =	ssyncset.done $0x0  }
0x65: {  	s21 =	simm.s32 $0x200;
	[sflag:s16] =	ssyncadd.s32 $0xFFFFE000  }
0x66: {  	[tilespmem:s7], [sflag:$0x1] =	stream.indirect.gather [hbm4b:s6+s1], $0x40, s21, s1, $0xb8;
	[tilespmem:$0x1F140] =	vst v63  }
0x67: {  	_ =	swait.ge [sflag:s18], $0x2000  }
0x68: {  	[sflag:s18] =	ssyncset.done $0x0  }
0x69: {  	s12 =	simm.s32 $0x5280;
	[sflag:s18] =	ssyncadd.s32 $0xFFFFE000  }
0x6a: {  	[spmem:s2] =	stream.indirect.scatter.add.f32 [tilespmem:s13], [sflag:$0x8], $0x40, s12, s1, $0xb8;
	[tilespmem:$0x1F140] =	vst v63  }
0x6b: {  	_ =	swait.ge [sflag:s20], $0x2000  }
0x6c: {  	[sflag:s20] =	ssyncset.done $0x0  }
0x6d: {  	s19 =	simm.s32 $0x280;
	[sflag:s20] =	ssyncadd.s32 $0xFFFFE000  }
0x6e: {  	[tilespmem:s8], [sflag:$0x2] =	stream.indirect.gather [hbm4b:s6+s1], $0x40, s19, s1, $0xb8;
	[tilespmem:$0x1F140] =	vst v63  }
0x6f: {  	_ =	swait.ge [sflag:s31], $0x2000  }
0x70: {  	[sflag:s31] =	ssyncset.done $0x0  }
0x71: {  	s21 =	simm.s32 $0x5300;
	[sflag:s31] =	ssyncadd.s32 $0xFFFFE000  }
0x72: {  	[spmem:s2] =	stream.indirect.scatter.add.f32 [tilespmem:s7], [sflag:$0x5], $0x40, s21, s1, $0xb8;
	[tilespmem:$0x1F140] =	vst v63  }
0x73: {  	_ =	swait.ge [sflag:s22], $0x2000  }
0x74: {  	[sflag:s22] =	ssyncset.done $0x0  }
0x75: {  	s12 =	simm.s32 $0x300;
	[sflag:s22] =	ssyncadd.s32 $0xFFFFE000  }
0x76: {  	[tilespmem:s10], [sflag:$0x3] =	stream.indirect.gather [hbm4b:s6+s1], $0x40, s12, s1, $0xb8;
	[tilespmem:$0x1F140] =	vst v63  }
0x77: {  	_ =	swait.ge [sflag:s0], $0x2000  }
0x78: {  	[sflag:s0] =	ssyncset.done $0x0  }
0x79: {  	s19 =	simm.s32 $0x5380;
	[sflag:s0] =	ssyncadd.s32 $0xFFFFE000  }
0x7a: {  	[spmem:s2] =	stream.indirect.scatter.add.f32 [tilespmem:s8], [sflag:$0x6], $0x40, s19, s1, $0xb8;
	[tilespmem:$0x1F140] =	vst v63  }
0x7b: {  	_ =	swait.ge [sflag:s9], $0x2000  }
0x7c: {  	[sflag:s9] =	ssyncset.done $0x0  }
0x7d: {  	s21 =	simm.s32 $0x380;
	[sflag:s9] =	ssyncadd.s32 $0xFFFFE000  }
0x7e: {  	[tilespmem:s13], [sflag:$0x4] =	stream.indirect.gather [hbm4b:s6+s1], $0x40, s21, s1, $0xb8;
	[tilespmem:$0x1F140] =	vst v63  }
0x7f: {  	_ =	swait.ge [sflag:s14], $0x2000  }
0x80: {  	[sflag:s14] =	ssyncset.done $0x0  }
0x81: {  	s12 =	simm.s32 $0x5400;
	[sflag:s14] =	ssyncadd.s32 $0xFFFFE000  }
0x82: {  	[spmem:s2] =	stream.indirect.scatter.add.f32 [tilespmem:s10], [sflag:$0x7], $0x40, s12, s1, $0xb8;
	[tilespmem:$0x1F140] =	vst v63  }
0x83: {  	_ =	swait.ge [sflag:s16], $0x2000  }
0x84: {  	[sflag:s16] =	ssyncset.done $0x0  }
0x85: {  	s19 =	simm.s32 $0x400;
	[sflag:s16] =	ssyncadd.s32 $0xFFFFE000  }
0x86: {  	[tilespmem:s7], [sflag:$0x1] =	stream.indirect.gather [hbm4b:s6+s1], $0x40, s19, s1, $0xb8;
	[tilespmem:$0x1F140] =	vst v63  }
0x87: {  	_ =	swait.ge [sflag:s18], $0x2000  }
0x88: {  	[sflag:s18] =	ssyncset.done $0x0  }
0x89: {  	s21 =	simm.s32 $0x5480;
	[sflag:s18] =	ssyncadd.s32 $0xFFFFE000  }
0x8a: {  	[spmem:s2] =	stream.indirect.scatter.add.f32 [tilespmem:s13], [sflag:$0x8], $0x40, s21, s1, $0xb8;
	[tilespmem:$0x1F140] =	vst v63  }
0x8b: {  	_ =	swait.ge [sflag:s20], $0x2000  }
0x8c: {  	[sflag:s20] =	ssyncset.done $0x0  }
0x8d: {  	s11 =	simm.s32 $0x480;
	s19 =	simm.s32 $0x800;
	[sflag:s20] =	ssyncadd.s32 $0xFFFFE000  }
.LBB2_4:
0x8e: {  	[tilespmem:s8], [sflag:$0x2] =	stream.indirect.gather [hbm4b:s6+s1], $0x40, s11, s1, $0xb8;
	[tilespmem:$0x1F140] =	vst v63  }
0x8f: {  	s11 =	smov.u32 s19  }
0x90: {  	p1 =	sne.s32 s19, $0x13000;
	s19 =	sadd.s32 $0x800, s19;
	_ =	swait.ge [sflag:s31], $0x2000  }
0x91: {  	s21 =	sshra.s32 s11, $0x2;
	[sflag:s31] =	ssyncset.done $0x0  }
0x92: {  	s11 =	sadd.s32 $0x5300, s21;
	[sflag:s31] =	ssyncadd.s32 $0xFFFFE000  }
0x93: {  	[spmem:s2] =	stream.indirect.scatter.add.f32 [tilespmem:s7], [sflag:$0x5], $0x40, s11, s1, $0xb8;
	[tilespmem:$0x1F140] =	vst v63  }
0x94: {  	_ =	swait.ge [sflag:s22], $0x2000  }
0x95: {  	[sflag:s22] =	ssyncset.done $0x0  }
0x96: {  	s11 =	sadd.s32 $0x300, s21;
	[sflag:s22] =	ssyncadd.s32 $0xFFFFE000  }
0x97: {  	[tilespmem:s10], [sflag:$0x3] =	stream.indirect.gather [hbm4b:s6+s1], $0x40, s11, s1, $0xb8;
	[tilespmem:$0x1F140] =	vst v63  }
0x98: {  	_ =	swait.ge [sflag:s0], $0x2000  }
0x99: {  	[sflag:s0] =	ssyncset.done $0x0  }
0x9a: {  	s11 =	sadd.s32 $0x5380, s21;
	[sflag:s0] =	ssyncadd.s32 $0xFFFFE000  }
0x9b: {  	[spmem:s2] =	stream.indirect.scatter.add.f32 [tilespmem:s8], [sflag:$0x6], $0x40, s11, s1, $0xb8;
	[tilespmem:$0x1F140] =	vst v63  }
0x9c: {  	_ =	swait.ge [sflag:s9], $0x2000  }
0x9d: {  	[sflag:s9] =	ssyncset.done $0x0  }
0x9e: {  	s11 =	sadd.s32 $0x380, s21;
	[sflag:s9] =	ssyncadd.s32 $0xFFFFE000  }
0x9f: {  	[tilespmem:s13], [sflag:$0x4] =	stream.indirect.gather [hbm4b:s6+s1], $0x40, s11, s1, $0xb8;
	[tilespmem:$0x1F140] =	vst v63  }
0xa0: {  	_ =	swait.ge [sflag:s14], $0x2000  }
0xa1: {  	[sflag:s14] =	ssyncset.done $0x0  }
0xa2: {  	s11 =	sadd.s32 $0x5400, s21;
	[sflag:s14] =	ssyncadd.s32 $0xFFFFE000  }
0xa3: {  	[spmem:s2] =	stream.indirect.scatter.add.f32 [tilespmem:s10], [sflag:$0x7], $0x40, s11, s1, $0xb8;
	[tilespmem:$0x1F140] =	vst v63  }
0xa4: {  	_ =	swait.ge [sflag:s16], $0x2000  }
0xa5: {  	[sflag:s16] =	ssyncset.done $0x0  }
0xa6: {  	s11 =	sadd.s32 $0x400, s21;
	[sflag:s16] =	ssyncadd.s32 $0xFFFFE000  }
0xa7: {  	[tilespmem:s7], [sflag:$0x1] =	stream.indirect.gather [hbm4b:s6+s1], $0x40, s11, s1, $0xb8;
	[tilespmem:$0x1F140] =	vst v63  }
0xa8: {  	_ =	swait.ge [sflag:s18], $0x2000  }
0xa9: {  	[sflag:s18] =	ssyncset.done $0x0  }
.Ltmp3:
0xaa: {  	s11 =	sadd.s32 $0x5480, s21;
	[sflag:s18] =	ssyncadd.s32 $0xFFFFE000;
	(pc) =	sbr.rel @p1 .LBB2_4-.Ltmp3, $4  }
0xab: {  	[spmem:s2] =	stream.indirect.scatter.add.f32 [tilespmem:s13], [sflag:$0x8], $0x40, s11, s1, $0xb8;
	[tilespmem:$0x1F140] =	vst v63  }
0xac: {  	_ =	swait.ge [sflag:s20], $0x2000  }
0xad: {  	[sflag:s20] =	ssyncset.done $0x0  }
0xae: {  	s11 =	sadd.s32 $0x480, s21;
	[sflag:s20] =	ssyncadd.s32 $0xFFFFE000  }
0xaf: {  	[tilespmem:s8], [sflag:$0x2] =	stream.indirect.gather [hbm4b:s6+s1], $0x40, s11, s1, $0xb8;
	[tilespmem:$0x1F140] =	vst v63  }
0xb0: {  	_ =	swait.ge [sflag:s31], $0x2000  }
0xb1: {  	[sflag:s31] =	ssyncset.done $0x0  }
0xb2: {  	s19 =	simm.s32 $0xA100;
	[sflag:s31] =	ssyncadd.s32 $0xFFFFE000  }
0xb3: {  	[spmem:s2] =	stream.indirect.scatter.add.f32 [tilespmem:s7], [sflag:$0x5], $0x40, s19, s1, $0xb8;
	[tilespmem:$0x1F140] =	vst v63  }
0xb4: {  	_ =	swait.ge [sflag:s22], $0x2000  }
0xb5: {  	[sflag:s22] =	ssyncset.done $0x0  }
0xb6: {  	[sflag:s22] =	ssyncadd.s32 $0xFFFFE000  }
0xb7: {  	_ =	swait.ge [sflag:s0], $0x2000  }
0xb8: {  	[sflag:s0] =	ssyncset.done $0x0  }
0xb9: {  	s21 =	simm.s32 $0xA180;
	[sflag:s0] =	ssyncadd.s32 $0xFFFFE000  }
0xba: {  	[spmem:s2] =	stream.indirect.scatter.add.f32 [tilespmem:s8], [sflag:$0x6], $0x40, s21, s1, $0xb8;
	[tilespmem:$0x1F140] =	vst v63  }
0xbb: {  	_ =	swait.ge [sflag:s9], $0x2000  }
0xbc: {  	[sflag:s9] =	ssyncset.done $0x0  }
0xbd: {  	[sflag:s9] =	ssyncadd.s32 $0xFFFFE000  }
0xbe: {  	_ =	swait.ge [sflag:s16], $0x2000  }
0xbf: {  	[sflag:s16] =	ssyncset.done $0x0  }
0xc0: {  	[sflag:s16] =	ssyncadd.s32 $0xFFFFE000  }
.Ltmp4:
0xc1: {  	_ =	swait.ge [sflag:s20], $0x2000;
	(pc) =	sbr.rel @p0 .LBB2_7-.Ltmp4, $3  }
0xc2: {  	[sflag:s20] =	ssyncset.done $0x0  }
0xc3: {  	[sflag:s20] =	ssyncadd.s32 $0xFFFFE000  }
0xc4: {  	[bflag:$0x0] =	sbarrier.arrive $0xFFFF;
	_ =	sdelay $0x1  }
0xc5: {  	s11 =	rddreg [dreg:$0x3]  }
0xc6: {  	[tilespmem:s7], [sflag:$0x9] =	stream.linear.gather [spmem:s11], $0x1F40, $0x38;
	[tilespmem:$0x1F140] =	vst v63  }
0xc7: {  	_ =	swait.ge [sflag:s15], $0x1F40  }
0xc8: {  	[sflag:s15] =	ssyncset.done $0x0  }
0xc9: {  	s12 =	rddreg [dreg:$0x4];
	[sflag:s15] =	ssyncadd.s32 $0xFFFFE0C0  }
0xca: {  	[hbm4b:s12+s3] =	stream.linear.scatter [tilespmem:s7], [sflag:$0x5], $0x1F40, $0x38;
	[tilespmem:$0x1F140] =	vst v63  }
0xcb: {  	s19 =	rddreg [dreg:$0x5]  }
0xcc: {  	[tilespmem:s8], [sflag:$0x9] =	stream.linear.gather [spmem:s19], $0x1F40, $0x38;
	[tilespmem:$0x1F140] =	vst v63  }
0xcd: {  	_ =	swait.ge [sflag:s15], $0x1F40  }
0xce: {  	[sflag:s15] =	ssyncset.done $0x0  }
0xcf: {  	s21 =	rddreg [dreg:$0x6];
	[sflag:s15] =	ssyncadd.s32 $0xFFFFE0C0  }
0xd0: {  	[hbm4b:s21+s3] =	stream.linear.scatter [tilespmem:s8], [sflag:$0x5], $0x1F40, $0x38;
	[tilespmem:$0x1F140] =	vst v63  }
0xd1: {  	_ =	swait.ge [sflag:s16], $0x1F40  }
0xd2: {  	[sflag:s16] =	ssyncset.done $0x0  }
0xd3: {  	s12 =	rddreg [dreg:$0x7];
	[sflag:s16] =	ssyncadd.s32 $0xFFFFE0C0  }
0xd4: {  	[tilespmem:s7], [sflag:$0x9] =	stream.linear.gather [spmem:s12], $0x1F40, $0x38;
	[tilespmem:$0x1F140] =	vst v63  }
0xd5: {  	_ =	swait.ge [sflag:s15], $0x1F40  }
0xd6: {  	[sflag:s15] =	ssyncset.done $0x0  }
0xd7: {  	s19 =	rddreg [dreg:$0x8];
	[sflag:s15] =	ssyncadd.s32 $0xFFFFE0C0  }
0xd8: {  	[hbm4b:s19+s3] =	stream.linear.scatter [tilespmem:s7], [sflag:$0x5], $0x1F40, $0x38;
	[tilespmem:$0x1F140] =	vst v63  }
0xd9: {  	_ =	swait.ge [sflag:s16], $0x1F40  }
0xda: {  	[sflag:s16] =	ssyncset.done $0x0  }
0xdb: {  	s21 =	rddreg [dreg:$0x9];
	[sflag:s16] =	ssyncadd.s32 $0xFFFFE0C0  }
0xdc: {  	[tilespmem:s8], [sflag:$0x9] =	stream.linear.gather [spmem:s21], $0x1F40, $0x38;
	[tilespmem:$0x1F140] =	vst v63  }
0xdd: {  	_ =	swait.ge [sflag:s15], $0x1F40  }
0xde: {  	[sflag:s15] =	ssyncset.done $0x0  }
0xdf: {  	s12 =	rddreg [dreg:$0xa];
	[sflag:s15] =	ssyncadd.s32 $0xFFFFE0C0  }
0xe0: {  	[hbm4b:s12+s3] =	stream.linear.scatter [tilespmem:s8], [sflag:$0x5], $0x1F40, $0x38;
	[tilespmem:$0x1F140] =	vst v63  }
0xe1: {  	_ =	swait.ge [sflag:s16], $0x1F40  }
0xe2: {  	[sflag:s16] =	ssyncset.done $0x0  }
0xe3: {  	s19 =	rddreg [dreg:$0xb];
	[sflag:s16] =	ssyncadd.s32 $0xFFFFE0C0  }
0xe4: {  	[tilespmem:s7], [sflag:$0x9] =	stream.linear.gather [spmem:s19], $0x1F40, $0x38;
	[tilespmem:$0x1F140] =	vst v63  }
0xe5: {  	_ =	swait.ge [sflag:s15], $0x1F40  }
0xe6: {  	[sflag:s15] =	ssyncset.done $0x0  }
0xe7: {  	s21 =	rddreg [dreg:$0xc];
	[sflag:s15] =	ssyncadd.s32 $0xFFFFE0C0  }
0xe8: {  	[hbm4b:s21+s3] =	stream.linear.scatter [tilespmem:s7], [sflag:$0x5], $0x1F40, $0x38;
	[tilespmem:$0x1F140] =	vst v63  }
0xe9: {  	_ =	swait.ge [sflag:s16], $0x1F40  }
0xea: {  	[sflag:s16] =	ssyncset.done $0x0  }
0xeb: {  	s12 =	rddreg [dreg:$0xd];
	[sflag:s16] =	ssyncadd.s32 $0xFFFFE0C0  }
0xec: {  	[tilespmem:s8], [sflag:$0x9] =	stream.linear.gather [spmem:s12], $0x1F40, $0x38;
	[tilespmem:$0x1F140] =	vst v63  }
0xed: {  	_ =	swait.ge [sflag:s15], $0x1F40  }
0xee: {  	[sflag:s15] =	ssyncset.done $0x0  }
0xef: {  	s19 =	rddreg [dreg:$0xe];
	[sflag:s15] =	ssyncadd.s32 $0xFFFFE0C0  }
0xf0: {  	[hbm4b:s19+s3] =	stream.linear.scatter [tilespmem:s8], [sflag:$0x5], $0x1F40, $0x38;
	[tilespmem:$0x1F140] =	vst v63  }
0xf1: {  	_ =	swait.ge [sflag:s16], $0x1F40  }
0xf2: {  	[sflag:s16] =	ssyncset.done $0x0  }
0xf3: {  	s21 =	rddreg [dreg:$0xf];
	[sflag:s16] =	ssyncadd.s32 $0xFFFFE0C0  }
0xf4: {  	[tilespmem:s7], [sflag:$0x9] =	stream.linear.gather [spmem:s21], $0x1F40, $0x38;
	[tilespmem:$0x1F140] =	vst v63  }
0xf5: {  	_ =	swait.ge [sflag:s15], $0x1F40  }
0xf6: {  	[sflag:s15] =	ssyncset.done $0x0  }
0xf7: {  	s12 =	rddreg [dreg:$0x10];
	[sflag:s15] =	ssyncadd.s32 $0xFFFFE0C0  }
0xf8: {  	[hbm4b:s12+s3] =	stream.linear.scatter [tilespmem:s7], [sflag:$0x5], $0x1F40, $0x38;
	[tilespmem:$0x1F140] =	vst v63  }
0xf9: {  	_ =	swait.ge [sflag:s16], $0x1F40  }
0xfa: {  	[sflag:s16] =	ssyncset.done $0x0  }
0xfb: {  	s19 =	rddreg [dreg:$0x11];
	[sflag:s16] =	ssyncadd.s32 $0xFFFFE0C0  }
0xfc: {  	[tilespmem:s8], [sflag:$0x9] =	stream.linear.gather [spmem:s19], $0x1F40, $0x38;
	[tilespmem:$0x1F140] =	vst v63  }
0xfd: {  	_ =	swait.ge [sflag:s15], $0x1F40  }
0xfe: {  	[sflag:s15] =	ssyncset.done $0x0  }
0xff: {  	s21 =	rddreg [dreg:$0x12];
	[sflag:s15] =	ssyncadd.s32 $0xFFFFE0C0  }
0x100: {  	[hbm4b:s21+s3] =	stream.linear.scatter [tilespmem:s8], [sflag:$0x5], $0x1F40, $0x38;
	[tilespmem:$0x1F140] =	vst v63  }
0x101: {  	_ =	swait.ge [sflag:s16], $0x1F40  }
.Ltmp5:
0x102: {  	[sflag:s16] =	ssyncset.done $0x0;
	(pc) =	sbr.rel .LBB2_7-.Ltmp5, $4  }
0x103: {  	[sflag:s16] =	ssyncadd.s32 $0xFFFFE0C0  }
0x104: {  	_ =	swait.ge [sflag:s16], $0x1F40  }
0x105: {  	[sflag:s16] =	ssyncset.done $0x0  }
0x106: {  	[sflag:s16] =	ssyncadd.s32 $0xFFFFE0C0  }
.LBB2_8:
0x107: {  	_ =	sfence.sel $0x180000  }
0x108: {  	[bflag:$0x0] =	sbarrier.arrive $0xFFFF  }
0x109: {  	_ =	strace $0x9000004A  }
0x10a: {  	s0 =	stileid.u32;
	[bflag:$0x2] =	sbarrier.arrive $0xFFFF  }
0x10b: {  	p0 =	sne.s32 s0, $0x0;
	s0 =	rddreg [dreg:$0x2]  }
0x10c: {  	s0 =	sadd.s32 @!p0 $0x100000, s0  }
0x10d: {  	[sflag:s0] =	ssyncadd.tile.s32 @!p0 $0x1;
	_ =	shalt  }
.Lfunc_end2:
_tile_overlayer_lowered:
.L_overlay_start_2:
0x10e: {  	(tag) =	ssettag $0x2  }
0x10f: {  	s0 =	rddreg [dreg:$0x0];
	s2 =	stileid.u32  }
0x110: {  	s1 =	rddreg [dreg:$0x1];
	p0 =	sne.s32 s2, $0x0  }
0x111: {  	s3 =	rddreg [dreg:$0x2];
	[bflag:$0x3] =	sbarrier.arrive $0xFFFF;
	s2 =	simm.s32 @!p0 $0x1C09  }
0x112: {  	[timem:s3], [sflag:s2] =	dma.local @!p0 [hbm:s0], s1  }
0x113: {  	s0 =	simm.s32 @!p0 $0x9  }
0x114: {  	_ =	swait.ge @!p0 [sflag:s0], s1  }
0x115: {  	s1 =	ssub.s32 @!p0 $0x0, s1;
	[sflag:s0] =	ssyncset.done @!p0 $0x0  }
0x116: {  	[sflag:s0] =	ssyncadd.s32 @!p0 s1  }
0x117: {  	[bflag:$0x3] =	sbarrier.arrive $0xFFFF  }
0x118: {  	_ =	shalt  }

</sc_bundles>
